<compile_context>
chip_gen: v7x
topology: tpu7x:2x2x1
jax: 0.10.2.dev20260603
libtpu: 0.0.44.dev20260713+nightly
codegen_flags: <defaults>
</compile_context>

<pallas_src>
import jax
import jax.numpy as jnp
from jax import lax
from jax.experimental import pallas as pl
from jax.experimental.pallas import tpu as pltpu
from jax.experimental.pallas import tpu_sc as plsc

_N_ELEMS = 6400000
_NSEG = 100000
_NC, _NS = 2, 16
_NW = _NC * _NS
_NSEG_PAD = 100096
_PER_TILE = _N_ELEMS // _NW
_B = 4000
_NCHUNK = _PER_TILE // _B
_NPAIR = _NCHUNK // 2
_VREGS = _B // 16
_UNROLL = 5
_FLUSH = _NSEG_PAD // _NS


def _sc_body(ea_hbm, eza_hbm, n_hbm, out_hbm, part_hbm,
             ea0, ea1, ez0, ez1, n0, n1, nb, accl, accs,
             isem0, isem1, osem0, osem1):
    c = lax.axis_index("c")
    s = lax.axis_index("s")
    wid = c * _NS + s
    base_el = wid * _PER_TILE

    ea = (ea0, ea1)
    ez = (ez0, ez1)
    nn = (n0, n1)
    tt = ea
    isem = (isem0, isem1)
    osem = (osem0, osem1)

    zero16 = jnp.zeros((16,), jnp.float32)

    def z16(i, _):
        for u in range(16):
            accl[pl.ds((i * 16 + u) * 16, 16)] = zero16
        return 0
    lax.fori_loop(0, _NSEG_PAD // 256, z16, 0)

    pltpu.sync_copy(accl.at[pl.ds(0, _FLUSH)],
                    accs.at[pl.ds(s * _FLUSH, _FLUSH)])
    plsc.subcore_barrier()

    def start_in(slot, k):
        off = base_el + k * _B
        pltpu.async_copy(ea_hbm.at[pl.ds(off, _B)], ea[slot], isem[slot])
        pltpu.async_copy(eza_hbm.at[pl.ds(off, _B)], ez[slot], isem[slot])
        pltpu.async_copy(n_hbm.at[pl.ds(off, _B)], nn[slot], isem[slot])

    def wait_in(slot, k):
        off = base_el + k * _B
        pltpu.make_async_copy(ea_hbm.at[pl.ds(off, _B)], ea[slot], isem[slot]).wait()
        pltpu.make_async_copy(eza_hbm.at[pl.ds(off, _B)], ez[slot], isem[slot]).wait()
        pltpu.make_async_copy(n_hbm.at[pl.ds(off, _B)], nn[slot], isem[slot]).wait()

    def wait_out(slot, k):
        off = base_el + k * _B
        pltpu.make_async_copy(tt[slot], out_hbm.at[pl.ds(off, _B)], osem[slot]).wait()

    iota16 = lax.iota(jnp.int32, 16)
    stride_idx = iota16 * _VREGS

    def compute(slot, k):
        @plsc.parallel_loop(0, _VREGS, unroll=_UNROLL)
        def _(i):
            sl = pl.ds(i * 16, 16)
            ea[slot][sl] = ea[slot][sl] + ez[slot][sl]
        pltpu.async_copy(tt[slot], out_hbm.at[pl.ds(base_el + k * _B, _B)],
                         osem[slot])

        @plsc.parallel_loop(0, _VREGS, unroll=_UNROLL)
        def _(i):
            idx = stride_idx + i
            t = plsc.load_gather(tt[slot], [idx])
            n16 = plsc.load_gather(nn[slot], [idx])
            plsc.addupdate_scatter(accl, [n16], t)

    start_in(0, 0)
    start_in(1, 1)

    def pair(k2, _):
        k = 2 * k2
        wait_in(0, k)
        compute(0, k)
        wait_out(0, k)

        @pl.when(k2 < _NPAIR - 1)
        def _():
            start_in(0, k + 2)
        wait_in(1, k + 1)
        compute(1, k + 1)
        wait_out(1, k + 1)

        @pl.when(k2 < _NPAIR - 1)
        def _():
            start_in(1, k + 3)
        return 0
    lax.fori_loop(0, _NPAIR, pair, 0)

    pltpu.sync_copy(n_hbm.at[pl.ds(base_el, 16)], nb)
    lo = nb[pl.ds(0, 16)][0]
    pltpu.sync_copy(n_hbm.at[pl.ds(base_el + _PER_TILE - 16, 16)], nb)
    hi = nb[pl.ds(0, 16)][15]

    fbase = (lo // 256) * 256
    nbat = (hi + 1 - fbase + 255) // 256

    def fl(b, _):
        off_b = fbase + b * 256
        for u in range(16):
            off = off_b + u * 16
            pltpu.async_copy(accl.at[pl.ds(off, 16)], accs.at[off + iota16],
                             isem0, add=True)
        for u in range(16):
            off = off_b + u * 16
            pltpu.make_async_copy(accl.at[pl.ds(off, 16)],
                                  accs.at[off + iota16], isem0).wait()
        return 0
    lax.fori_loop(0, nbat, fl, 0)

    plsc.subcore_barrier()
    off = s * _FLUSH
    pltpu.sync_copy(accs.at[pl.ds(off, _FLUSH)], accl.at[pl.ds(0, _FLUSH)])
    pltpu.sync_copy(accl.at[pl.ds(0, _FLUSH)],
                    part_hbm.at[pl.ds(c * _NSEG_PAD + off, _FLUSH)])


_sc_call = pl.kernel(
    _sc_body,
    out_type=(
        jax.ShapeDtypeStruct((_N_ELEMS,), jnp.float32),
        jax.ShapeDtypeStruct((_NC * _NSEG_PAD,), jnp.float32),
    ),
    mesh=plsc.VectorSubcoreMesh(core_axis_name="c", subcore_axis_name="s",
                                num_cores=_NC, num_subcores=_NS),
    compiler_params=pltpu.CompilerParams(needs_layout_passes=False),
    scratch_types=[
        pltpu.VMEM((_B,), jnp.float32),
        pltpu.VMEM((_B,), jnp.float32),
        pltpu.VMEM((_B,), jnp.float32),
        pltpu.VMEM((_B,), jnp.float32),
        pltpu.VMEM((_B,), jnp.int32),
        pltpu.VMEM((_B,), jnp.int32),
        pltpu.VMEM((16,), jnp.int32),
        pltpu.VMEM((_NSEG_PAD,), jnp.float32),
        pltpu.VMEM_SHARED((_NSEG_PAD,), jnp.float32),
        pltpu.SemaphoreType.DMA,
        pltpu.SemaphoreType.DMA,
        pltpu.SemaphoreType.DMA,
        pltpu.SemaphoreType.DMA,
    ],
)


def _combine_body(p_ref, o_ref):
    o_ref[...] = p_ref[0] + p_ref[1]


def kernel(Ea, Eza, N):
    total, part = _sc_call(Ea, Eza, N)
    comb = pl.pallas_call(
        _combine_body,
        out_shape=jax.ShapeDtypeStruct((_NSEG_PAD // 128, 128), jnp.float32),
    )(part.reshape(_NC, _NSEG_PAD // 128, 128))
    E = comb.reshape(-1)[:_NSEG]
    return (total, E)

# --- scband reference (transcript-rebuilt; emitter-appended) ---
"""Pipeline reference for scband-energy-reduce-layer-9809705305164 (READ-ONLY COPY).

The authoritative reference and input builder live on the scoring server;
editing this copy changes nothing except your own understanding.
"""

import jax, jax.numpy as jnp
import numpy as np

N_ELEMS = 6400000
NUM_SEGMENTS = 100000

def setup_inputs(seed: int = 0) -> dict:
    key = jax.random.key(seed)
    k1, k2, k3 = jax.random.split(key, 3)
    Ea = jax.random.normal(k1, (N_ELEMS,), dtype=jnp.float32)
    Eza = jax.random.normal(k2, (N_ELEMS,), dtype=jnp.float32)
    N = jnp.sort(jax.random.randint(k3, (N_ELEMS,), 0, NUM_SEGMENTS, dtype=jnp.int32))
    return {"Ea": Ea, "Eza": Eza, "N": N}

def reference(Ea, Eza, N):
    # Original torch forward: iterate dict, accumulate every key matching
    # k[0]=='E' and k[-1]=='a' and len(k)>2 into output['Ea'] (in-place +=,
    # which also mutates net_input['Ea'] since the tensor is shared), then
    # E = segment_sum(net_input['Ea'], net_input['N']).
    # Here the only extra matching key is 'Eza'.
    Ea_total = Ea + Eza
    E = jax.ops.segment_sum(Ea_total, N, num_segments=NUM_SEGMENTS)
    return (Ea_total, E)

if __name__ == "__main__":
    import jax
    _d = setup_inputs()
    print(jax.jit(kernel)(*tuple(_d.values())))

</pallas_src>

<mosaic_0001>
#map = affine_map<(d0, d1) -> (0)>
module attributes {stable_mosaic.version = 14 : i64} {
  func.func @_sc_body(%arg0: i32, %arg1: i32, %arg2: memref<6400000xf32, #tpu.memory_space<hbm>>, %arg3: memref<6400000xf32, #tpu.memory_space<hbm>>, %arg4: memref<6400000xi32, #tpu.memory_space<hbm>>, %arg5: memref<6400000xf32, #tpu.memory_space<hbm>>, %arg6: memref<200192xf32, #tpu.memory_space<hbm>>, %arg7: memref<4000xf32, #tpu.memory_space<vmem>>, %arg8: memref<4000xf32, #tpu.memory_space<vmem>>, %arg9: memref<4000xf32, #tpu.memory_space<vmem>>, %arg10: memref<4000xf32, #tpu.memory_space<vmem>>, %arg11: memref<4000xi32, #tpu.memory_space<vmem>>, %arg12: memref<4000xi32, #tpu.memory_space<vmem>>, %arg13: memref<16xi32, #tpu.memory_space<vmem>>, %arg14: memref<100096xf32, #tpu.memory_space<vmem>>, %arg15: memref<100096xf32, #tpu.memory_space<vmem_shared>>, %arg16: memref<!tpu.dma_semaphore, #tpu.memory_space<semaphore_mem>>, %arg17: memref<!tpu.dma_semaphore, #tpu.memory_space<semaphore_mem>>, %arg18: memref<!tpu.dma_semaphore, #tpu.memory_space<semaphore_mem>>, %arg19: memref<!tpu.dma_semaphore, #tpu.memory_space<semaphore_mem>>) attributes {dimension_semantics = [#tpu.dimension_semantics<core_parallel>, #tpu.dimension_semantics<subcore_parallel>], iteration_bounds = array<i64: 2, 16>, scalar_prefetch = 0 : i64, scratch_operands = 13 : i64, tpu.core_type = #tpu.core_type<sc_vector_subcore>, window_params = [{transform_indices = #map}, {transform_indices = #map}, {transform_indices = #map}, {transform_indices = #map}, {transform_indices = #map}]} {
    %mul3A = arith.constant 16 : i32
    %mul3A_0 = arith.muli %arg0, %mul3A : i32
    %add3A = arith.addi %mul3A_0, %arg1 : i32
    %mul3A_1 = arith.constant 200000 : i32
    %mul3A_2 = arith.muli %add3A, %mul3A_1 : i32
    %broadcast_in_dim3A = arith.constant 0.000000e+00 : f32
    %broadcast_in_dim3A_3 = vector.broadcast %broadcast_in_dim3A : f32 to vector<16xf32>
    %scan3A = arith.constant 0 : i32
    %scan3A_4 = arith.constant 0 : i32
    %scan3A_5 = arith.constant 391 : i32
    %scan3A_6 = arith.addi %scan3A_4, %scan3A_5 : i32
    %scan3A_7 = arith.constant 1 : i32
    %scan3A_8 = scf.for %scan3A_110 = %scan3A_4 to %scan3A_6 step %scan3A_7 iter_args(%scan3A_111 = %scan3A) -> (i32)  : i32 {
      %mul3A_112 = arith.constant 16 : i32
      %mul3A_113 = arith.muli %scan3A_110, %mul3A_112 : i32
      %add3A_114 = arith.constant 0 : i32
      %add3A_115 = arith.addi %mul3A_113, %add3A_114 : i32
      %mul3A_116 = arith.constant 16 : i32
      %mul3A_117 = arith.muli %add3A_115, %mul3A_116 : i32
      %swap3A = arith.index_cast %mul3A_117 : i32 to index
      %swap3A_118 = tpu.vector_load %arg14[%swap3A] {strides = array<i32>} : memref<100096xf32, #tpu.memory_space<vmem>>, vector<16xf32>,
      tpu.vector_store %arg14[%swap3A], %broadcast_in_dim3A_3 {strides = array<i32>} : memref<100096xf32, #tpu.memory_space<vmem>>, vector<16xf32>,
      %mul3A_119 = arith.constant 16 : i32
      %mul3A_120 = arith.muli %scan3A_110, %mul3A_119 : i32
      %add3A_121 = arith.constant 1 : i32
      %add3A_122 = arith.addi %mul3A_120, %add3A_121 : i32
      %mul3A_123 = arith.constant 16 : i32
      %mul3A_124 = arith.muli %add3A_122, %mul3A_123 : i32
      %swap3A_125 = arith.index_cast %mul3A_124 : i32 to index
      %swap3A_126 = tpu.vector_load %arg14[%swap3A_125] {strides = array<i32>} : memref<100096xf32, #tpu.memory_space<vmem>>, vector<16xf32>,
      tpu.vector_store %arg14[%swap3A_125], %broadcast_in_dim3A_3 {strides = array<i32>} : memref<100096xf32, #tpu.memory_space<vmem>>, vector<16xf32>,
      %mul3A_127 = arith.constant 16 : i32
      %mul3A_128 = arith.muli %scan3A_110, %mul3A_127 : i32
      %add3A_129 = arith.constant 2 : i32
      %add3A_130 = arith.addi %mul3A_128, %add3A_129 : i32
      %mul3A_131 = arith.constant 16 : i32
      %mul3A_132 = arith.muli %add3A_130, %mul3A_131 : i32
      %swap3A_133 = arith.index_cast %mul3A_132 : i32 to index
      %swap3A_134 = tpu.vector_load %arg14[%swap3A_133] {strides = array<i32>} : memref<100096xf32, #tpu.memory_space<vmem>>, vector<16xf32>,
      tpu.vector_store %arg14[%swap3A_133], %broadcast_in_dim3A_3 {strides = array<i32>} : memref<100096xf32, #tpu.memory_space<vmem>>, vector<16xf32>,
      %mul3A_135 = arith.constant 16 : i32
      %mul3A_136 = arith.muli %scan3A_110, %mul3A_135 : i32
      %add3A_137 = arith.constant 3 : i32
      %add3A_138 = arith.addi %mul3A_136, %add3A_137 : i32
      %mul3A_139 = arith.constant 16 : i32
      %mul3A_140 = arith.muli %add3A_138, %mul3A_139 : i32
      %swap3A_141 = arith.index_cast %mul3A_140 : i32 to index
      %swap3A_142 = tpu.vector_load %arg14[%swap3A_141] {strides = array<i32>} : memref<100096xf32, #tpu.memory_space<vmem>>, vector<16xf32>,
      tpu.vector_store %arg14[%swap3A_141], %broadcast_in_dim3A_3 {strides = array<i32>} : memref<100096xf32, #tpu.memory_space<vmem>>, vector<16xf32>,
      %mul3A_143 = arith.constant 16 : i32
      %mul3A_144 = arith.muli %scan3A_110, %mul3A_143 : i32
      %add3A_145 = arith.constant 4 : i32
      %add3A_146 = arith.addi %mul3A_144, %add3A_145 : i32
      %mul3A_147 = arith.constant 16 : i32
      %mul3A_148 = arith.muli %add3A_146, %mul3A_147 : i32
      %swap3A_149 = arith.index_cast %mul3A_148 : i32 to index
      %swap3A_150 = tpu.vector_load %arg14[%swap3A_149] {strides = array<i32>} : memref<100096xf32, #tpu.memory_space<vmem>>, vector<16xf32>,
      tpu.vector_store %arg14[%swap3A_149], %broadcast_in_dim3A_3 {strides = array<i32>} : memref<100096xf32, #tpu.memory_space<vmem>>, vector<16xf32>,
      %mul3A_151 = arith.constant 16 : i32
      %mul3A_152 = arith.muli %scan3A_110, %mul3A_151 : i32
      %add3A_153 = arith.constant 5 : i32
      %add3A_154 = arith.addi %mul3A_152, %add3A_153 : i32
      %mul3A_155 = arith.constant 16 : i32
      %mul3A_156 = arith.muli %add3A_154, %mul3A_155 : i32
      %swap3A_157 = arith.index_cast %mul3A_156 : i32 to index
      %swap3A_158 = tpu.vector_load %arg14[%swap3A_157] {strides = array<i32>} : memref<100096xf32, #tpu.memory_space<vmem>>, vector<16xf32>,
      tpu.vector_store %arg14[%swap3A_157], %broadcast_in_dim3A_3 {strides = array<i32>} : memref<100096xf32, #tpu.memory_space<vmem>>, vector<16xf32>,
      %mul3A_159 = arith.constant 16 : i32
      %mul3A_160 = arith.muli %scan3A_110, %mul3A_159 : i32
      %add3A_161 = arith.constant 6 : i32
      %add3A_162 = arith.addi %mul3A_160, %add3A_161 : i32
      %mul3A_163 = arith.constant 16 : i32
      %mul3A_164 = arith.muli %add3A_162, %mul3A_163 : i32
      %swap3A_165 = arith.index_cast %mul3A_164 : i32 to index
      %swap3A_166 = tpu.vector_load %arg14[%swap3A_165] {strides = array<i32>} : memref<100096xf32, #tpu.memory_space<vmem>>, vector<16xf32>,
      tpu.vector_store %arg14[%swap3A_165], %broadcast_in_dim3A_3 {strides = array<i32>} : memref<100096xf32, #tpu.memory_space<vmem>>, vector<16xf32>,
      %mul3A_167 = arith.constant 16 : i32
      %mul3A_168 = arith.muli %scan3A_110, %mul3A_167 : i32
      %add3A_169 = arith.constant 7 : i32
      %add3A_170 = arith.addi %mul3A_168, %add3A_169 : i32
      %mul3A_171 = arith.constant 16 : i32
      %mul3A_172 = arith.muli %add3A_170, %mul3A_171 : i32
      %swap3A_173 = arith.index_cast %mul3A_172 : i32 to index
      %swap3A_174 = tpu.vector_load %arg14[%swap3A_173] {strides = array<i32>} : memref<100096xf32, #tpu.memory_space<vmem>>, vector<16xf32>,
      tpu.vector_store %arg14[%swap3A_173], %broadcast_in_dim3A_3 {strides = array<i32>} : memref<100096xf32, #tpu.memory_space<vmem>>, vector<16xf32>,
      %mul3A_175 = arith.constant 16 : i32
      %mul3A_176 = arith.muli %scan3A_110, %mul3A_175 : i32
      %add3A_177 = arith.constant 8 : i32
      %add3A_178 = arith.addi %mul3A_176, %add3A_177 : i32
      %mul3A_179 = arith.constant 16 : i32
      %mul3A_180 = arith.muli %add3A_178, %mul3A_179 : i32
      %swap3A_181 = arith.index_cast %mul3A_180 : i32 to index
      %swap3A_182 = tpu.vector_load %arg14[%swap3A_181] {strides = array<i32>} : memref<100096xf32, #tpu.memory_space<vmem>>, vector<16xf32>,
      tpu.vector_store %arg14[%swap3A_181], %broadcast_in_dim3A_3 {strides = array<i32>} : memref<100096xf32, #tpu.memory_space<vmem>>, vector<16xf32>,
      %mul3A_183 = arith.constant 16 : i32
      %mul3A_184 = arith.muli %scan3A_110, %mul3A_183 : i32
      %add3A_185 = arith.constant 9 : i32
      %add3A_186 = arith.addi %mul3A_184, %add3A_185 : i32
      %mul3A_187 = arith.constant 16 : i32
      %mul3A_188 = arith.muli %add3A_186, %mul3A_187 : i32
      %swap3A_189 = arith.index_cast %mul3A_188 : i32 to index
      %swap3A_190 = tpu.vector_load %arg14[%swap3A_189] {strides = array<i32>} : memref<100096xf32, #tpu.memory_space<vmem>>, vector<16xf32>,
      tpu.vector_store %arg14[%swap3A_189], %broadcast_in_dim3A_3 {strides = array<i32>} : memref<100096xf32, #tpu.memory_space<vmem>>, vector<16xf32>,
      %mul3A_191 = arith.constant 16 : i32
      %mul3A_192 = arith.muli %scan3A_110, %mul3A_191 : i32
      %add3A_193 = arith.constant 10 : i32
      %add3A_194 = arith.addi %mul3A_192, %add3A_193 : i32
      %mul3A_195 = arith.constant 16 : i32
      %mul3A_196 = arith.muli %add3A_194, %mul3A_195 : i32
      %swap3A_197 = arith.index_cast %mul3A_196 : i32 to index
      %swap3A_198 = tpu.vector_load %arg14[%swap3A_197] {strides = array<i32>} : memref<100096xf32, #tpu.memory_space<vmem>>, vector<16xf32>,
      tpu.vector_store %arg14[%swap3A_197], %broadcast_in_dim3A_3 {strides = array<i32>} : memref<100096xf32, #tpu.memory_space<vmem>>, vector<16xf32>,
      %mul3A_199 = arith.constant 16 : i32
      %mul3A_200 = arith.muli %scan3A_110, %mul3A_199 : i32
      %add3A_201 = arith.constant 11 : i32
      %add3A_202 = arith.addi %mul3A_200, %add3A_201 : i32
      %mul3A_203 = arith.constant 16 : i32
      %mul3A_204 = arith.muli %add3A_202, %mul3A_203 : i32
      %swap3A_205 = arith.index_cast %mul3A_204 : i32 to index
      %swap3A_206 = tpu.vector_load %arg14[%swap3A_205] {strides = array<i32>} : memref<100096xf32, #tpu.memory_space<vmem>>, vector<16xf32>,
      tpu.vector_store %arg14[%swap3A_205], %broadcast_in_dim3A_3 {strides = array<i32>} : memref<100096xf32, #tpu.memory_space<vmem>>, vector<16xf32>,
      %mul3A_207 = arith.constant 16 : i32
      %mul3A_208 = arith.muli %scan3A_110, %mul3A_207 : i32
      %add3A_209 = arith.constant 12 : i32
      %add3A_210 = arith.addi %mul3A_208, %add3A_209 : i32
      %mul3A_211 = arith.constant 16 : i32
      %mul3A_212 = arith.muli %add3A_210, %mul3A_211 : i32
      %swap3A_213 = arith.index_cast %mul3A_212 : i32 to index
      %swap3A_214 = tpu.vector_load %arg14[%swap3A_213] {strides = array<i32>} : memref<100096xf32, #tpu.memory_space<vmem>>, vector<16xf32>,
      tpu.vector_store %arg14[%swap3A_213], %broadcast_in_dim3A_3 {strides = array<i32>} : memref<100096xf32, #tpu.memory_space<vmem>>, vector<16xf32>,
      %mul3A_215 = arith.constant 16 : i32
      %mul3A_216 = arith.muli %scan3A_110, %mul3A_215 : i32
      %add3A_217 = arith.constant 13 : i32
      %add3A_218 = arith.addi %mul3A_216, %add3A_217 : i32
      %mul3A_219 = arith.constant 16 : i32
      %mul3A_220 = arith.muli %add3A_218, %mul3A_219 : i32
      %swap3A_221 = arith.index_cast %mul3A_220 : i32 to index
      %swap3A_222 = tpu.vector_load %arg14[%swap3A_221] {strides = array<i32>} : memref<100096xf32, #tpu.memory_space<vmem>>, vector<16xf32>,
      tpu.vector_store %arg14[%swap3A_221], %broadcast_in_dim3A_3 {strides = array<i32>} : memref<100096xf32, #tpu.memory_space<vmem>>, vector<16xf32>,
      %mul3A_223 = arith.constant 16 : i32
      %mul3A_224 = arith.muli %scan3A_110, %mul3A_223 : i32
      %add3A_225 = arith.constant 14 : i32
      %add3A_226 = arith.addi %mul3A_224, %add3A_225 : i32
      %mul3A_227 = arith.constant 16 : i32
      %mul3A_228 = arith.muli %add3A_226, %mul3A_227 : i32
      %swap3A_229 = arith.index_cast %mul3A_228 : i32 to index
      %swap3A_230 = tpu.vector_load %arg14[%swap3A_229] {strides = array<i32>} : memref<100096xf32, #tpu.memory_space<vmem>>, vector<16xf32>,
      tpu.vector_store %arg14[%swap3A_229], %broadcast_in_dim3A_3 {strides = array<i32>} : memref<100096xf32, #tpu.memory_space<vmem>>, vector<16xf32>,
      %mul3A_231 = arith.constant 16 : i32
      %mul3A_232 = arith.muli %scan3A_110, %mul3A_231 : i32
      %add3A_233 = arith.constant 15 : i32
      %add3A_234 = arith.addi %mul3A_232, %add3A_233 : i32
      %mul3A_235 = arith.constant 16 : i32
      %mul3A_236 = arith.muli %add3A_234, %mul3A_235 : i32
      %swap3A_237 = arith.index_cast %mul3A_236 : i32 to index
      %swap3A_238 = tpu.vector_load %arg14[%swap3A_237] {strides = array<i32>} : memref<100096xf32, #tpu.memory_space<vmem>>, vector<16xf32>,
      tpu.vector_store %arg14[%swap3A_237], %broadcast_in_dim3A_3 {strides = array<i32>} : memref<100096xf32, #tpu.memory_space<vmem>>, vector<16xf32>,
      %scan3A_239 = arith.constant 0 : i32
      scf.yield %scan3A_239 : i32
    }
    %scan3A_9 = arith.constant 391 : i32
    %mul3A_10 = arith.constant 6256 : i32
    %mul3A_11 = arith.muli %arg1, %mul3A_10 : i32
    "tpu.region"() ({
      %run_scoped3A = tpu.sem_alloc : memref<!tpu.dma_semaphore, #tpu.memory_space<semaphore_mem>>
      %dma_start3A_110 = arith.constant 0 : i32
      %dma_start3A_111 = tpu.memref_slice %arg14[%dma_start3A_110] : memref<100096xf32, #tpu.memory_space<vmem>> -> memref<6256xf32, #tpu.memory_space<vmem>>
      %dma_start3A_112 = tpu.memref_slice %arg15[%mul3A_11] : memref<100096xf32, #tpu.memory_space<vmem_shared>> -> memref<6256xf32, #tpu.memory_space<vmem_shared>>
      %dma_start3A_113 = tpu.memref_slice %arg15[%mul3A_11] : memref<100096xf32, #tpu.memory_space<vmem_shared>> -> memref<6256xf32, #tpu.memory_space<vmem_shared>>
      %dma_start3A_114 = arith.constant 0 : i32
      %dma_start3A_115 = tpu.memref_slice %arg14[%dma_start3A_114] : memref<100096xf32, #tpu.memory_space<vmem>> -> memref<6256xf32, #tpu.memory_space<vmem>>
      tpu.enqueue_dma source(%dma_start3A_115 : memref<6256xf32, #tpu.memory_space<vmem>>) target(%dma_start3A_113 : memref<6256xf32, #tpu.memory_space<vmem_shared>>) target_semaphore(%run_scoped3A : memref<!tpu.dma_semaphore, #tpu.memory_space<semaphore_mem>>)
      %dma_wait3A = arith.constant 0 : i32
      %dma_wait3A_116 = tpu.memref_slice %arg14[%dma_wait3A] : memref<100096xf32, #tpu.memory_space<vmem>> -> memref<6256xf32, #tpu.memory_space<vmem>>
      %dma_wait3A_117 = tpu.memref_slice %arg15[%mul3A_11] : memref<100096xf32, #tpu.memory_space<vmem_shared>> -> memref<6256xf32, #tpu.memory_space<vmem_shared>>
      %dma_wait3A_118 = tpu.memref_slice %arg15[%mul3A_11] : memref<100096xf32, #tpu.memory_space<vmem_shared>> -> memref<6256xf32, #tpu.memory_space<vmem_shared>>
      %dma_wait3A_119 = arith.constant 0 : i32
      %dma_wait3A_120 = tpu.memref_slice %arg14[%dma_wait3A_119] : memref<100096xf32, #tpu.memory_space<vmem>> -> memref<6256xf32, #tpu.memory_space<vmem>>
      tpu.wait_dma2 semaphore(%run_scoped3A : memref<!tpu.dma_semaphore, #tpu.memory_space<semaphore_mem>>) src(%dma_wait3A_120 : memref<6256xf32, #tpu.memory_space<vmem>>) dst(%dma_wait3A_118 : memref<6256xf32, #tpu.memory_space<vmem_shared>>)
      tpu.yield
    }) : () -> ()
    %barrier3A = arith.constant 0 : index
    tpu.barrier barrier_id(%barrier3A)
    %iota3A = tpu.iota {dimensions = array<i32: 0>} : vector<16xi32>
    %mul3A_12 = arith.constant 250 : i32
    %mul3A_13 = vector.broadcast %mul3A_12 : i32 to vector<16xi32>
    %mul3A_14 = arith.muli %iota3A, %mul3A_13 : vector<16xi32>
    %add3A_15 = arith.constant 0 : i32
    %add3A_16 = arith.addi %mul3A_2, %add3A_15 : i32
    %dma_start3A = tpu.memref_slice %arg2[%add3A_16] : memref<6400000xf32, #tpu.memory_space<hbm>> -> memref<4000xf32, #tpu.memory_space<hbm>>
    %dma_start3A_17 = tpu.memref_slice %arg2[%add3A_16] : memref<6400000xf32, #tpu.memory_space<hbm>> -> memref<4000xf32, #tpu.memory_space<hbm>>
    tpu.enqueue_dma source(%dma_start3A_17 : memref<4000xf32, #tpu.memory_space<hbm>>) target(%arg7 : memref<4000xf32, #tpu.memory_space<vmem>>) target_semaphore(%arg16 : memref<!tpu.dma_semaphore, #tpu.memory_space<semaphore_mem>>)
    %dma_start3A_18 = tpu.memref_slice %arg3[%add3A_16] : memref<6400000xf32, #tpu.memory_space<hbm>> -> memref<4000xf32, #tpu.memory_space<hbm>>
    %dma_start3A_19 = tpu.memref_slice %arg3[%add3A_16] : memref<6400000xf32, #tpu.memory_space<hbm>> -> memref<4000xf32, #tpu.memory_space<hbm>>
    tpu.enqueue_dma source(%dma_start3A_19 : memref<4000xf32, #tpu.memory_space<hbm>>) target(%arg9 : memref<4000xf32, #tpu.memory_space<vmem>>) target_semaphore(%arg16 : memref<!tpu.dma_semaphore, #tpu.memory_space<semaphore_mem>>)
    %dma_start3A_20 = tpu.memref_slice %arg4[%add3A_16] : memref<6400000xi32, #tpu.memory_space<hbm>> -> memref<4000xi32, #tpu.memory_space<hbm>>
    %dma_start3A_21 = tpu.memref_slice %arg4[%add3A_16] : memref<6400000xi32, #tpu.memory_space<hbm>> -> memref<4000xi32, #tpu.memory_space<hbm>>
    tpu.enqueue_dma source(%dma_start3A_21 : memref<4000xi32, #tpu.memory_space<hbm>>) target(%arg11 : memref<4000xi32, #tpu.memory_space<vmem>>) target_semaphore(%arg16 : memref<!tpu.dma_semaphore, #tpu.memory_space<semaphore_mem>>)
    %add3A_22 = arith.constant 4000 : i32
    %add3A_23 = arith.addi %mul3A_2, %add3A_22 : i32
    %dma_start3A_24 = tpu.memref_slice %arg2[%add3A_23] : memref<6400000xf32, #tpu.memory_space<hbm>> -> memref<4000xf32, #tpu.memory_space<hbm>>
    %dma_start3A_25 = tpu.memref_slice %arg2[%add3A_23] : memref<6400000xf32, #tpu.memory_space<hbm>> -> memref<4000xf32, #tpu.memory_space<hbm>>
    tpu.enqueue_dma source(%dma_start3A_25 : memref<4000xf32, #tpu.memory_space<hbm>>) target(%arg8 : memref<4000xf32, #tpu.memory_space<vmem>>) target_semaphore(%arg17 : memref<!tpu.dma_semaphore, #tpu.memory_space<semaphore_mem>>)
    %dma_start3A_26 = tpu.memref_slice %arg3[%add3A_23] : memref<6400000xf32, #tpu.memory_space<hbm>> -> memref<4000xf32, #tpu.memory_space<hbm>>
    %dma_start3A_27 = tpu.memref_slice %arg3[%add3A_23] : memref<6400000xf32, #tpu.memory_space<hbm>> -> memref<4000xf32, #tpu.memory_space<hbm>>
    tpu.enqueue_dma source(%dma_start3A_27 : memref<4000xf32, #tpu.memory_space<hbm>>) target(%arg10 : memref<4000xf32, #tpu.memory_space<vmem>>) target_semaphore(%arg17 : memref<!tpu.dma_semaphore, #tpu.memory_space<semaphore_mem>>)
    %dma_start3A_28 = tpu.memref_slice %arg4[%add3A_23] : memref<6400000xi32, #tpu.memory_space<hbm>> -> memref<4000xi32, #tpu.memory_space<hbm>>
    %dma_start3A_29 = tpu.memref_slice %arg4[%add3A_23] : memref<6400000xi32, #tpu.memory_space<hbm>> -> memref<4000xi32, #tpu.memory_space<hbm>>
    tpu.enqueue_dma source(%dma_start3A_29 : memref<4000xi32, #tpu.memory_space<hbm>>) target(%arg12 : memref<4000xi32, #tpu.memory_space<vmem>>) target_semaphore(%arg17 : memref<!tpu.dma_semaphore, #tpu.memory_space<semaphore_mem>>)
    %scan3A_30 = arith.constant 0 : i32
    %scan3A_31 = arith.constant 0 : i32
    %scan3A_32 = arith.constant 25 : i32
    %scan3A_33 = arith.addi %scan3A_31, %scan3A_32 : i32
    %scan3A_34 = arith.constant 1 : i32
    %scan3A_35 = scf.for %scan3A_110 = %scan3A_31 to %scan3A_33 step %scan3A_34 iter_args(%scan3A_111 = %scan3A_30) -> (i32)  : i32 {
      %mul3A_112 = arith.constant 2 : i32
      %mul3A_113 = arith.muli %mul3A_112, %scan3A_110 : i32
      %mul3A_114 = arith.constant 4000 : i32
      %mul3A_115 = arith.muli %mul3A_113, %mul3A_114 : i32
      %add3A_116 = arith.addi %mul3A_2, %mul3A_115 : i32
      %dma_wait3A = tpu.memref_slice %arg2[%add3A_116] : memref<6400000xf32, #tpu.memory_space<hbm>> -> memref<4000xf32, #tpu.memory_space<hbm>>
      %dma_wait3A_117 = tpu.memref_slice %arg2[%add3A_116] : memref<6400000xf32, #tpu.memory_space<hbm>> -> memref<4000xf32, #tpu.memory_space<hbm>>
      tpu.wait_dma2 semaphore(%arg16 : memref<!tpu.dma_semaphore, #tpu.memory_space<semaphore_mem>>) src(%dma_wait3A_117 : memref<4000xf32, #tpu.memory_space<hbm>>) dst(%arg7 : memref<4000xf32, #tpu.memory_space<vmem>>)
      %dma_wait3A_118 = tpu.memref_slice %arg3[%add3A_116] : memref<6400000xf32, #tpu.memory_space<hbm>> -> memref<4000xf32, #tpu.memory_space<hbm>>
      %dma_wait3A_119 = tpu.memref_slice %arg3[%add3A_116] : memref<6400000xf32, #tpu.memory_space<hbm>> -> memref<4000xf32, #tpu.memory_space<hbm>>
      tpu.wait_dma2 semaphore(%arg16 : memref<!tpu.dma_semaphore, #tpu.memory_space<semaphore_mem>>) src(%dma_wait3A_119 : memref<4000xf32, #tpu.memory_space<hbm>>) dst(%arg9 : memref<4000xf32, #tpu.memory_space<vmem>>)
      %dma_wait3A_120 = tpu.memref_slice %arg4[%add3A_116] : memref<6400000xi32, #tpu.memory_space<hbm>> -> memref<4000xi32, #tpu.memory_space<hbm>>
      %dma_wait3A_121 = tpu.memref_slice %arg4[%add3A_116] : memref<6400000xi32, #tpu.memory_space<hbm>> -> memref<4000xi32, #tpu.memory_space<hbm>>
      tpu.wait_dma2 semaphore(%arg16 : memref<!tpu.dma_semaphore, #tpu.memory_space<semaphore_mem>>) src(%dma_wait3A_121 : memref<4000xi32, #tpu.memory_space<hbm>>) dst(%arg11 : memref<4000xi32, #tpu.memory_space<vmem>>)
      %parallel_loop3A = arith.constant 0 : i32
      %parallel_loop3A_122 = arith.constant 250 : i32
      %parallel_loop3A_123 = arith.constant 1 : i32
      scf.for %parallel_loop3A_176 = %parallel_loop3A to %parallel_loop3A_122 step %parallel_loop3A_123  : i32 {
        %parallel_loop3A_177 = arith.constant 16 : i32
        %parallel_loop3A_178 = arith.muli %parallel_loop3A_176, %parallel_loop3A_177 : i32
        %parallel_loop3A_179 = arith.index_cast %parallel_loop3A_178 : i32 to index
        %parallel_loop3A_180 = tpu.vector_load %arg7[%parallel_loop3A_179] {strides = array<i32>} : memref<4000xf32, #tpu.memory_space<vmem>>, vector<16xf32>,
        %parallel_loop3A_181 = arith.index_cast %parallel_loop3A_178 : i32 to index
        %parallel_loop3A_182 = tpu.vector_load %arg9[%parallel_loop3A_181] {strides = array<i32>} : memref<4000xf32, #tpu.memory_space<vmem>>, vector<16xf32>,
        %parallel_loop3A_183 = arith.addf %parallel_loop3A_180, %parallel_loop3A_182 : vector<16xf32>
        %parallel_loop3A_184 = arith.index_cast %parallel_loop3A_178 : i32 to index
        %parallel_loop3A_185 = tpu.vector_load %arg7[%parallel_loop3A_184] {strides = array<i32>} : memref<4000xf32, #tpu.memory_space<vmem>>, vector<16xf32>,
        tpu.vector_store %arg7[%parallel_loop3A_184], %parallel_loop3A_183 {strides = array<i32>} : memref<4000xf32, #tpu.memory_space<vmem>>, vector<16xf32>,
      } {sc.loop_unroll_factor = 5 : i64, sc.parallel_access}
      %mul3A_124 = arith.constant 4000 : i32
      %mul3A_125 = arith.muli %mul3A_113, %mul3A_124 : i32
      %add3A_126 = arith.addi %mul3A_2, %mul3A_125 : i32
      %dma_start3A_127 = tpu.memref_slice %arg5[%add3A_126] : memref<6400000xf32, #tpu.memory_space<hbm>> -> memref<4000xf32, #tpu.memory_space<hbm>>
      %dma_start3A_128 = tpu.memref_slice %arg5[%add3A_126] : memref<6400000xf32, #tpu.memory_space<hbm>> -> memref<4000xf32, #tpu.memory_space<hbm>>
      tpu.enqueue_dma source(%arg7 : memref<4000xf32, #tpu.memory_space<vmem>>) target(%dma_start3A_128 : memref<4000xf32, #tpu.memory_space<hbm>>) target_semaphore(%arg18 : memref<!tpu.dma_semaphore, #tpu.memory_space<semaphore_mem>>)
      %parallel_loop3A_129 = arith.constant 0 : i32
      %parallel_loop3A_130 = arith.constant 250 : i32
      %parallel_loop3A_131 = arith.constant 1 : i32
      scf.for %parallel_loop3A_176 = %parallel_loop3A_129 to %parallel_loop3A_130 step %parallel_loop3A_131  : i32 {
        %parallel_loop3A_177 = vector.broadcast %parallel_loop3A_176 : i32 to vector<16xi32>
        %parallel_loop3A_178 = arith.addi %mul3A_14, %parallel_loop3A_177 : vector<16xi32>
        %parallel_loop3A_179 = tpu.vector_load_idx %arg7[%parallel_loop3A_178] : memref<4000xf32, #tpu.memory_space<vmem>>[vector<16xi32>], vector<16xf32>,
        %parallel_loop3A_180 = tpu.vector_load_idx %arg11[%parallel_loop3A_178] : memref<4000xi32, #tpu.memory_space<vmem>>[vector<16xi32>], vector<16xi32>,
        tpu.vector_store_idx %arg14[%parallel_loop3A_180], %parallel_loop3A_179 {add = true} : memref<100096xf32, #tpu.memory_space<vmem>>[vector<16xi32>], vector<16xf32>,
      } {sc.loop_unroll_factor = 5 : i64, sc.parallel_access}
      %mul3A_132 = arith.constant 4000 : i32
      %mul3A_133 = arith.muli %mul3A_113, %mul3A_132 : i32
      %add3A_134 = arith.addi %mul3A_2, %mul3A_133 : i32
      %dma_wait3A_135 = tpu.memref_slice %arg5[%add3A_134] : memref<6400000xf32, #tpu.memory_space<hbm>> -> memref<4000xf32, #tpu.memory_space<hbm>>
      %dma_wait3A_136 = tpu.memref_slice %arg5[%add3A_134] : memref<6400000xf32, #tpu.memory_space<hbm>> -> memref<4000xf32, #tpu.memory_space<hbm>>
      tpu.wait_dma2 semaphore(%arg18 : memref<!tpu.dma_semaphore, #tpu.memory_space<semaphore_mem>>) src(%arg7 : memref<4000xf32, #tpu.memory_space<vmem>>) dst(%dma_wait3A_136 : memref<4000xf32, #tpu.memory_space<hbm>>)
      %lt3A = arith.constant 24 : i32
      %lt3A_137 = arith.cmpi slt, %scan3A_110, %lt3A : i32
      %convert_element_type3A = arith.extui %lt3A_137 : i1 to i32
      %cond3A = arith.constant 0 : i32
      %cond3A_138 = arith.cmpi ne, %convert_element_type3A, %cond3A : i32
      scf.if %cond3A_138 {
        %add3A_176 = arith.constant 2 : i32
        %add3A_177 = arith.addi %mul3A_113, %add3A_176 : i32
        %mul3A_178 = arith.constant 4000 : i32
        %mul3A_179 = arith.muli %add3A_177, %mul3A_178 : i32
        %add3A_180 = arith.addi %mul3A_2, %mul3A_179 : i32
        %dma_start3A_181 = tpu.memref_slice %arg2[%add3A_180] : memref<6400000xf32, #tpu.memory_space<hbm>> -> memref<4000xf32, #tpu.memory_space<hbm>>
        %dma_start3A_182 = tpu.memref_slice %arg2[%add3A_180] : memref<6400000xf32, #tpu.memory_space<hbm>> -> memref<4000xf32, #tpu.memory_space<hbm>>
        tpu.enqueue_dma source(%dma_start3A_182 : memref<4000xf32, #tpu.memory_space<hbm>>) target(%arg7 : memref<4000xf32, #tpu.memory_space<vmem>>) target_semaphore(%arg16 : memref<!tpu.dma_semaphore, #tpu.memory_space<semaphore_mem>>)
        %dma_start3A_183 = tpu.memref_slice %arg3[%add3A_180] : memref<6400000xf32, #tpu.memory_space<hbm>> -> memref<4000xf32, #tpu.memory_space<hbm>>
        %dma_start3A_184 = tpu.memref_slice %arg3[%add3A_180] : memref<6400000xf32, #tpu.memory_space<hbm>> -> memref<4000xf32, #tpu.memory_space<hbm>>
        tpu.enqueue_dma source(%dma_start3A_184 : memref<4000xf32, #tpu.memory_space<hbm>>) target(%arg9 : memref<4000xf32, #tpu.memory_space<vmem>>) target_semaphore(%arg16 : memref<!tpu.dma_semaphore, #tpu.memory_space<semaphore_mem>>)
        %dma_start3A_185 = tpu.memref_slice %arg4[%add3A_180] : memref<6400000xi32, #tpu.memory_space<hbm>> -> memref<4000xi32, #tpu.memory_space<hbm>>
        %dma_start3A_186 = tpu.memref_slice %arg4[%add3A_180] : memref<6400000xi32, #tpu.memory_space<hbm>> -> memref<4000xi32, #tpu.memory_space<hbm>>
        tpu.enqueue_dma source(%dma_start3A_186 : memref<4000xi32, #tpu.memory_space<hbm>>) target(%arg11 : memref<4000xi32, #tpu.memory_space<vmem>>) target_semaphore(%arg16 : memref<!tpu.dma_semaphore, #tpu.memory_space<semaphore_mem>>)
      } else {
      }
      %add3A_139 = arith.constant 1 : i32
      %add3A_140 = arith.addi %mul3A_113, %add3A_139 : i32
      %mul3A_141 = arith.constant 4000 : i32
      %mul3A_142 = arith.muli %add3A_140, %mul3A_141 : i32
      %add3A_143 = arith.addi %mul3A_2, %mul3A_142 : i32
      %dma_wait3A_144 = tpu.memref_slice %arg2[%add3A_143] : memref<6400000xf32, #tpu.memory_space<hbm>> -> memref<4000xf32, #tpu.memory_space<hbm>>
      %dma_wait3A_145 = tpu.memref_slice %arg2[%add3A_143] : memref<6400000xf32, #tpu.memory_space<hbm>> -> memref<4000xf32, #tpu.memory_space<hbm>>
      tpu.wait_dma2 semaphore(%arg17 : memref<!tpu.dma_semaphore, #tpu.memory_space<semaphore_mem>>) src(%dma_wait3A_145 : memref<4000xf32, #tpu.memory_space<hbm>>) dst(%arg8 : memref<4000xf32, #tpu.memory_space<vmem>>)
      %dma_wait3A_146 = tpu.memref_slice %arg3[%add3A_143] : memref<6400000xf32, #tpu.memory_space<hbm>> -> memref<4000xf32, #tpu.memory_space<hbm>>
      %dma_wait3A_147 = tpu.memref_slice %arg3[%add3A_143] : memref<6400000xf32, #tpu.memory_space<hbm>> -> memref<4000xf32, #tpu.memory_space<hbm>>
      tpu.wait_dma2 semaphore(%arg17 : memref<!tpu.dma_semaphore, #tpu.memory_space<semaphore_mem>>) src(%dma_wait3A_147 : memref<4000xf32, #tpu.memory_space<hbm>>) dst(%arg10 : memref<4000xf32, #tpu.memory_space<vmem>>)
      %dma_wait3A_148 = tpu.memref_slice %arg4[%add3A_143] : memref<6400000xi32, #tpu.memory_space<hbm>> -> memref<4000xi32, #tpu.memory_space<hbm>>
      %dma_wait3A_149 = tpu.memref_slice %arg4[%add3A_143] : memref<6400000xi32, #tpu.memory_space<hbm>> -> memref<4000xi32, #tpu.memory_space<hbm>>
      tpu.wait_dma2 semaphore(%arg17 : memref<!tpu.dma_semaphore, #tpu.memory_space<semaphore_mem>>) src(%dma_wait3A_149 : memref<4000xi32, #tpu.memory_space<hbm>>) dst(%arg12 : memref<4000xi32, #tpu.memory_space<vmem>>)
      %add3A_150 = arith.constant 1 : i32
      %add3A_151 = arith.addi %mul3A_113, %add3A_150 : i32
      %parallel_loop3A_152 = arith.constant 0 : i32
      %parallel_loop3A_153 = arith.constant 250 : i32
      %parallel_loop3A_154 = arith.constant 1 : i32
      scf.for %parallel_loop3A_176 = %parallel_loop3A_152 to %parallel_loop3A_153 step %parallel_loop3A_154  : i32 {
        %parallel_loop3A_177 = arith.constant 16 : i32
        %parallel_loop3A_178 = arith.muli %parallel_loop3A_176, %parallel_loop3A_177 : i32
        %parallel_loop3A_179 = arith.index_cast %parallel_loop3A_178 : i32 to index
        %parallel_loop3A_180 = tpu.vector_load %arg8[%parallel_loop3A_179] {strides = array<i32>} : memref<4000xf32, #tpu.memory_space<vmem>>, vector<16xf32>,
        %parallel_loop3A_181 = arith.index_cast %parallel_loop3A_178 : i32 to index
        %parallel_loop3A_182 = tpu.vector_load %arg10[%parallel_loop3A_181] {strides = array<i32>} : memref<4000xf32, #tpu.memory_space<vmem>>, vector<16xf32>,
        %parallel_loop3A_183 = arith.addf %parallel_loop3A_180, %parallel_loop3A_182 : vector<16xf32>
        %parallel_loop3A_184 = arith.index_cast %parallel_loop3A_178 : i32 to index
        %parallel_loop3A_185 = tpu.vector_load %arg8[%parallel_loop3A_184] {strides = array<i32>} : memref<4000xf32, #tpu.memory_space<vmem>>, vector<16xf32>,
        tpu.vector_store %arg8[%parallel_loop3A_184], %parallel_loop3A_183 {strides = array<i32>} : memref<4000xf32, #tpu.memory_space<vmem>>, vector<16xf32>,
      } {sc.loop_unroll_factor = 5 : i64, sc.parallel_access}
      %mul3A_155 = arith.constant 4000 : i32
      %mul3A_156 = arith.muli %add3A_151, %mul3A_155 : i32
      %add3A_157 = arith.addi %mul3A_2, %mul3A_156 : i32
      %dma_start3A_158 = tpu.memref_slice %arg5[%add3A_157] : memref<6400000xf32, #tpu.memory_space<hbm>> -> memref<4000xf32, #tpu.memory_space<hbm>>
      %dma_start3A_159 = tpu.memref_slice %arg5[%add3A_157] : memref<6400000xf32, #tpu.memory_space<hbm>> -> memref<4000xf32, #tpu.memory_space<hbm>>
      tpu.enqueue_dma source(%arg8 : memref<4000xf32, #tpu.memory_space<vmem>>) target(%dma_start3A_159 : memref<4000xf32, #tpu.memory_space<hbm>>) target_semaphore(%arg19 : memref<!tpu.dma_semaphore, #tpu.memory_space<semaphore_mem>>)
      %parallel_loop3A_160 = arith.constant 0 : i32
      %parallel_loop3A_161 = arith.constant 250 : i32
      %parallel_loop3A_162 = arith.constant 1 : i32
      scf.for %parallel_loop3A_176 = %parallel_loop3A_160 to %parallel_loop3A_161 step %parallel_loop3A_162  : i32 {
        %parallel_loop3A_177 = vector.broadcast %parallel_loop3A_176 : i32 to vector<16xi32>
        %parallel_loop3A_178 = arith.addi %mul3A_14, %parallel_loop3A_177 : vector<16xi32>
        %parallel_loop3A_179 = tpu.vector_load_idx %arg8[%parallel_loop3A_178] : memref<4000xf32, #tpu.memory_space<vmem>>[vector<16xi32>], vector<16xf32>,
        %parallel_loop3A_180 = tpu.vector_load_idx %arg12[%parallel_loop3A_178] : memref<4000xi32, #tpu.memory_space<vmem>>[vector<16xi32>], vector<16xi32>,
        tpu.vector_store_idx %arg14[%parallel_loop3A_180], %parallel_loop3A_179 {add = true} : memref<100096xf32, #tpu.memory_space<vmem>>[vector<16xi32>], vector<16xf32>,
      } {sc.loop_unroll_factor = 5 : i64, sc.parallel_access}
      %add3A_163 = arith.constant 1 : i32
      %add3A_164 = arith.addi %mul3A_113, %add3A_163 : i32
      %mul3A_165 = arith.constant 4000 : i32
      %mul3A_166 = arith.muli %add3A_164, %mul3A_165 : i32
      %add3A_167 = arith.addi %mul3A_2, %mul3A_166 : i32
      %dma_wait3A_168 = tpu.memref_slice %arg5[%add3A_167] : memref<6400000xf32, #tpu.memory_space<hbm>> -> memref<4000xf32, #tpu.memory_space<hbm>>
      %dma_wait3A_169 = tpu.memref_slice %arg5[%add3A_167] : memref<6400000xf32, #tpu.memory_space<hbm>> -> memref<4000xf32, #tpu.memory_space<hbm>>
      tpu.wait_dma2 semaphore(%arg19 : memref<!tpu.dma_semaphore, #tpu.memory_space<semaphore_mem>>) src(%arg8 : memref<4000xf32, #tpu.memory_space<vmem>>) dst(%dma_wait3A_169 : memref<4000xf32, #tpu.memory_space<hbm>>)
      %lt3A_170 = arith.constant 24 : i32
      %lt3A_171 = arith.cmpi slt, %scan3A_110, %lt3A_170 : i32
      %convert_element_type3A_172 = arith.extui %lt3A_171 : i1 to i32
      %cond3A_173 = arith.constant 0 : i32
      %cond3A_174 = arith.cmpi ne, %convert_element_type3A_172, %cond3A_173 : i32
      scf.if %cond3A_174 {
        %add3A_176 = arith.constant 3 : i32
        %add3A_177 = arith.addi %mul3A_113, %add3A_176 : i32
        %mul3A_178 = arith.constant 4000 : i32
        %mul3A_179 = arith.muli %add3A_177, %mul3A_178 : i32
        %add3A_180 = arith.addi %mul3A_2, %mul3A_179 : i32
        %dma_start3A_181 = tpu.memref_slice %arg2[%add3A_180] : memref<6400000xf32, #tpu.memory_space<hbm>> -> memref<4000xf32, #tpu.memory_space<hbm>>
        %dma_start3A_182 = tpu.memref_slice %arg2[%add3A_180] : memref<6400000xf32, #tpu.memory_space<hbm>> -> memref<4000xf32, #tpu.memory_space<hbm>>
        tpu.enqueue_dma source(%dma_start3A_182 : memref<4000xf32, #tpu.memory_space<hbm>>) target(%arg8 : memref<4000xf32, #tpu.memory_space<vmem>>) target_semaphore(%arg17 : memref<!tpu.dma_semaphore, #tpu.memory_space<semaphore_mem>>)
        %dma_start3A_183 = tpu.memref_slice %arg3[%add3A_180] : memref<6400000xf32, #tpu.memory_space<hbm>> -> memref<4000xf32, #tpu.memory_space<hbm>>
        %dma_start3A_184 = tpu.memref_slice %arg3[%add3A_180] : memref<6400000xf32, #tpu.memory_space<hbm>> -> memref<4000xf32, #tpu.memory_space<hbm>>
        tpu.enqueue_dma source(%dma_start3A_184 : memref<4000xf32, #tpu.memory_space<hbm>>) target(%arg10 : memref<4000xf32, #tpu.memory_space<vmem>>) target_semaphore(%arg17 : memref<!tpu.dma_semaphore, #tpu.memory_space<semaphore_mem>>)
        %dma_start3A_185 = tpu.memref_slice %arg4[%add3A_180] : memref<6400000xi32, #tpu.memory_space<hbm>> -> memref<4000xi32, #tpu.memory_space<hbm>>
        %dma_start3A_186 = tpu.memref_slice %arg4[%add3A_180] : memref<6400000xi32, #tpu.memory_space<hbm>> -> memref<4000xi32, #tpu.memory_space<hbm>>
        tpu.enqueue_dma source(%dma_start3A_186 : memref<4000xi32, #tpu.memory_space<hbm>>) target(%arg12 : memref<4000xi32, #tpu.memory_space<vmem>>) target_semaphore(%arg17 : memref<!tpu.dma_semaphore, #tpu.memory_space<semaphore_mem>>)
      } else {
      }
      %scan3A_175 = arith.constant 0 : i32
      scf.yield %scan3A_175 : i32
    }
    %scan3A_36 = arith.constant 25 : i32
    "tpu.region"() ({
      %run_scoped3A = tpu.sem_alloc : memref<!tpu.dma_semaphore, #tpu.memory_space<semaphore_mem>>
      %dma_start3A_110 = tpu.memref_slice %arg4[%mul3A_2] : memref<6400000xi32, #tpu.memory_space<hbm>> -> memref<16xi32, #tpu.memory_space<hbm>>
      %dma_start3A_111 = tpu.memref_slice %arg4[%mul3A_2] : memref<6400000xi32, #tpu.memory_space<hbm>> -> memref<16xi32, #tpu.memory_space<hbm>>
      tpu.enqueue_dma source(%dma_start3A_111 : memref<16xi32, #tpu.memory_space<hbm>>) target(%arg13 : memref<16xi32, #tpu.memory_space<vmem>>) target_semaphore(%run_scoped3A : memref<!tpu.dma_semaphore, #tpu.memory_space<semaphore_mem>>)
      %dma_wait3A = tpu.memref_slice %arg4[%mul3A_2] : memref<6400000xi32, #tpu.memory_space<hbm>> -> memref<16xi32, #tpu.memory_space<hbm>>
      %dma_wait3A_112 = tpu.memref_slice %arg4[%mul3A_2] : memref<6400000xi32, #tpu.memory_space<hbm>> -> memref<16xi32, #tpu.memory_space<hbm>>
      tpu.wait_dma2 semaphore(%run_scoped3A : memref<!tpu.dma_semaphore, #tpu.memory_space<semaphore_mem>>) src(%dma_wait3A_112 : memref<16xi32, #tpu.memory_space<hbm>>) dst(%arg13 : memref<16xi32, #tpu.memory_space<vmem>>)
      tpu.yield
    }) : () -> ()
    %get3A = arith.constant 0 : index
    %get3A_37 = tpu.vector_load %arg13[%get3A] {strides = array<i32>} : memref<16xi32, #tpu.memory_space<vmem>>, vector<16xi32>,
    %slice3A = vector.extract_strided_slice %get3A_37 {offsets = [0], sizes = [1], strides = [1]} : vector<16xi32> to vector<1xi32>
    %squeeze3A = vector.extract %slice3A[0] : i32 from vector<1xi32>
    %add3A_38 = arith.constant 200000 : i32
    %add3A_39 = arith.addi %mul3A_2, %add3A_38 : i32
    %sub3A = arith.constant 16 : i32
    %sub3A_40 = arith.subi %add3A_39, %sub3A : i32
    "tpu.region"() ({
      %run_scoped3A = tpu.sem_alloc : memref<!tpu.dma_semaphore, #tpu.memory_space<semaphore_mem>>
      %dma_start3A_110 = tpu.memref_slice %arg4[%sub3A_40] : memref<6400000xi32, #tpu.memory_space<hbm>> -> memref<16xi32, #tpu.memory_space<hbm>>
      %dma_start3A_111 = tpu.memref_slice %arg4[%sub3A_40] : memref<6400000xi32, #tpu.memory_space<hbm>> -> memref<16xi32, #tpu.memory_space<hbm>>
      tpu.enqueue_dma source(%dma_start3A_111 : memref<16xi32, #tpu.memory_space<hbm>>) target(%arg13 : memref<16xi32, #tpu.memory_space<vmem>>) target_semaphore(%run_scoped3A : memref<!tpu.dma_semaphore, #tpu.memory_space<semaphore_mem>>)
      %dma_wait3A = tpu.memref_slice %arg4[%sub3A_40] : memref<6400000xi32, #tpu.memory_space<hbm>> -> memref<16xi32, #tpu.memory_space<hbm>>
      %dma_wait3A_112 = tpu.memref_slice %arg4[%sub3A_40] : memref<6400000xi32, #tpu.memory_space<hbm>> -> memref<16xi32, #tpu.memory_space<hbm>>
      tpu.wait_dma2 semaphore(%run_scoped3A : memref<!tpu.dma_semaphore, #tpu.memory_space<semaphore_mem>>) src(%dma_wait3A_112 : memref<16xi32, #tpu.memory_space<hbm>>) dst(%arg13 : memref<16xi32, #tpu.memory_space<vmem>>)
      tpu.yield
    }) : () -> ()
    %get3A_41 = arith.constant 0 : index
    %get3A_42 = tpu.vector_load %arg13[%get3A_41] {strides = array<i32>} : memref<16xi32, #tpu.memory_space<vmem>>, vector<16xi32>,
    %slice3A_43 = vector.extract_strided_slice %get3A_42 {offsets = [15], sizes = [1], strides = [1]} : vector<16xi32> to vector<1xi32>
    %squeeze3A_44 = vector.extract %slice3A_43[0] : i32 from vector<1xi32>
    %jit3A = arith.constant 256 : i32
    %div3A = arith.divsi %squeeze3A, %jit3A : i32
    %sign3A = arith.constant 0 : i32
    %sign3A_45 = arith.cmpi sgt, %squeeze3A, %sign3A : i32
    %sign3A_46 = arith.extui %sign3A_45 : i1 to i32
    %sign3A_47 = arith.constant 0 : i32
    %sign3A_48 = arith.cmpi slt, %squeeze3A, %sign3A_47 : i32
    %sign3A_49 = arith.extui %sign3A_48 : i1 to i32
    %sign3A_50 = arith.subi %sign3A_46, %sign3A_49 : i32
    %sign3A_51 = arith.constant 0 : i32
    %sign3A_52 = arith.cmpi sgt, %jit3A, %sign3A_51 : i32
    %sign3A_53 = arith.extui %sign3A_52 : i1 to i32
    %sign3A_54 = arith.constant 0 : i32
    %sign3A_55 = arith.cmpi slt, %jit3A, %sign3A_54 : i32
    %sign3A_56 = arith.extui %sign3A_55 : i1 to i32
    %sign3A_57 = arith.subi %sign3A_53, %sign3A_56 : i32
    %ne3A = arith.cmpi ne, %sign3A_50, %sign3A_57 : i32
    %rem3A = arith.remsi %squeeze3A, %jit3A : i32
    %ne3A_58 = arith.constant 0 : i32
    %ne3A_59 = arith.cmpi ne, %rem3A, %ne3A_58 : i32
    %and3A = arith.andi %ne3A, %ne3A_59 : i1
    %sub3A_60 = arith.constant 1 : i32
    %sub3A_61 = arith.subi %div3A, %sub3A_60 : i32
    %select_n3A = arith.select %and3A, %sub3A_61, %div3A : i32
    %mul3A_62 = arith.constant 256 : i32
    %mul3A_63 = arith.muli %select_n3A, %mul3A_62 : i32
    %add3A_64 = arith.constant 1 : i32
    %add3A_65 = arith.addi %squeeze3A_44, %add3A_64 : i32
    %sub3A_66 = arith.subi %add3A_65, %mul3A_63 : i32
    %add3A_67 = arith.constant 255 : i32
    %add3A_68 = arith.addi %sub3A_66, %add3A_67 : i32
    %jit3A_69 = arith.constant 256 : i32
    %div3A_70 = arith.divsi %add3A_68, %jit3A_69 : i32
    %sign3A_71 = arith.constant 0 : i32
    %sign3A_72 = arith.cmpi sgt, %add3A_68, %sign3A_71 : i32
    %sign3A_73 = arith.extui %sign3A_72 : i1 to i32
    %sign3A_74 = arith.constant 0 : i32
    %sign3A_75 = arith.cmpi slt, %add3A_68, %sign3A_74 : i32
    %sign3A_76 = arith.extui %sign3A_75 : i1 to i32
    %sign3A_77 = arith.subi %sign3A_73, %sign3A_76 : i32
    %sign3A_78 = arith.constant 0 : i32
    %sign3A_79 = arith.cmpi sgt, %jit3A_69, %sign3A_78 : i32
    %sign3A_80 = arith.extui %sign3A_79 : i1 to i32
    %sign3A_81 = arith.constant 0 : i32
    %sign3A_82 = arith.cmpi slt, %jit3A_69, %sign3A_81 : i32
    %sign3A_83 = arith.extui %sign3A_82 : i1 to i32
    %sign3A_84 = arith.subi %sign3A_80, %sign3A_83 : i32
    %ne3A_85 = arith.cmpi ne, %sign3A_77, %sign3A_84 : i32
    %rem3A_86 = arith.remsi %add3A_68, %jit3A_69 : i32
    %ne3A_87 = arith.constant 0 : i32
    %ne3A_88 = arith.cmpi ne, %rem3A_86, %ne3A_87 : i32
    %and3A_89 = arith.andi %ne3A_85, %ne3A_88 : i1
    %sub3A_90 = arith.constant 1 : i32
    %sub3A_91 = arith.subi %div3A_70, %sub3A_90 : i32
    %select_n3A_92 = arith.select %and3A_89, %sub3A_91, %div3A_70 : i32
    %while3A = arith.constant 0 : i32
    %while3A_93 = arith.constant 0 : i32
    %while3A_94 = arith.subi %select_n3A_92, %while3A : i32
    %while3A_95 = arith.addi %while3A, %while3A_94 : i32
    %while3A_96 = arith.constant 1 : i32
    %while3A_97 = arith.divsi %while3A_94, %while3A_96 : i32
    %while3A_98 = arith.muli %while3A_97, %while3A_96 : i32
    %while3A_99 = arith.addi %while3A, %while3A_98 : i32
    %while3A_100 = arith.constant 1 : i32
    %while3A_101 = scf.for %while3A_110 = %while3A to %while3A_99 step %while3A_100 iter_args(%while3A_111 = %while3A_93) -> (i32)  : i32 {
      %mul3A_112 = arith.constant 256 : i32
      %mul3A_113 = arith.muli %while3A_110, %mul3A_112 : i32
      %add3A_114 = arith.addi %mul3A_63, %mul3A_113 : i32
      %add3A_115 = arith.constant 0 : i32
      %add3A_116 = arith.addi %add3A_114, %add3A_115 : i32
      %add3A_117 = vector.broadcast %add3A_116 : i32 to vector<16xi32>
      %add3A_118 = arith.addi %add3A_117, %iota3A : vector<16xi32>
      %dma_start3A_119 = tpu.memref_slice %arg14[%add3A_116] : memref<100096xf32, #tpu.memory_space<vmem>> -> memref<16xf32, #tpu.memory_space<vmem>>
      %dma_start3A_120 = arith.constant 0 : i32
      %dma_start3A_121 = tpu.memref_slice %arg15[%dma_start3A_120] : memref<100096xf32, #tpu.memory_space<vmem_shared>> -> memref<100096xf32, #tpu.memory_space<vmem_shared>>
      tpu.enqueue_indirect_dma source(%dma_start3A_119 : memref<16xf32, #tpu.memory_space<vmem>>) target(%dma_start3A_121 : memref<100096xf32, #tpu.memory_space<vmem_shared>>) offsets(%add3A_118 : vector<16xi32>) semaphore(%arg16 : memref<!tpu.dma_semaphore, #tpu.memory_space<semaphore_mem>>) {add = true}
      %add3A_122 = arith.constant 16 : i32
      %add3A_123 = arith.addi %add3A_114, %add3A_122 : i32
      %add3A_124 = vector.broadcast %add3A_123 : i32 to vector<16xi32>
      %add3A_125 = arith.addi %add3A_124, %iota3A : vector<16xi32>
      %dma_start3A_126 = tpu.memref_slice %arg14[%add3A_123] : memref<100096xf32, #tpu.memory_space<vmem>> -> memref<16xf32, #tpu.memory_space<vmem>>
      %dma_start3A_127 = arith.constant 0 : i32
      %dma_start3A_128 = tpu.memref_slice %arg15[%dma_start3A_127] : memref<100096xf32, #tpu.memory_space<vmem_shared>> -> memref<100096xf32, #tpu.memory_space<vmem_shared>>
      tpu.enqueue_indirect_dma source(%dma_start3A_126 : memref<16xf32, #tpu.memory_space<vmem>>) target(%dma_start3A_128 : memref<100096xf32, #tpu.memory_space<vmem_shared>>) offsets(%add3A_125 : vector<16xi32>) semaphore(%arg16 : memref<!tpu.dma_semaphore, #tpu.memory_space<semaphore_mem>>) {add = true}
      %add3A_129 = arith.constant 32 : i32
      %add3A_130 = arith.addi %add3A_114, %add3A_129 : i32
      %add3A_131 = vector.broadcast %add3A_130 : i32 to vector<16xi32>
      %add3A_132 = arith.addi %add3A_131, %iota3A : vector<16xi32>
      %dma_start3A_133 = tpu.memref_slice %arg14[%add3A_130] : memref<100096xf32, #tpu.memory_space<vmem>> -> memref<16xf32, #tpu.memory_space<vmem>>
      %dma_start3A_134 = arith.constant 0 : i32
      %dma_start3A_135 = tpu.memref_slice %arg15[%dma_start3A_134] : memref<100096xf32, #tpu.memory_space<vmem_shared>> -> memref<100096xf32, #tpu.memory_space<vmem_shared>>
      tpu.enqueue_indirect_dma source(%dma_start3A_133 : memref<16xf32, #tpu.memory_space<vmem>>) target(%dma_start3A_135 : memref<100096xf32, #tpu.memory_space<vmem_shared>>) offsets(%add3A_132 : vector<16xi32>) semaphore(%arg16 : memref<!tpu.dma_semaphore, #tpu.memory_space<semaphore_mem>>) {add = true}
      %add3A_136 = arith.constant 48 : i32
      %add3A_137 = arith.addi %add3A_114, %add3A_136 : i32
      %add3A_138 = vector.broadcast %add3A_137 : i32 to vector<16xi32>
      %add3A_139 = arith.addi %add3A_138, %iota3A : vector<16xi32>
      %dma_start3A_140 = tpu.memref_slice %arg14[%add3A_137] : memref<100096xf32, #tpu.memory_space<vmem>> -> memref<16xf32, #tpu.memory_space<vmem>>
      %dma_start3A_141 = arith.constant 0 : i32
      %dma_start3A_142 = tpu.memref_slice %arg15[%dma_start3A_141] : memref<100096xf32, #tpu.memory_space<vmem_shared>> -> memref<100096xf32, #tpu.memory_space<vmem_shared>>
      tpu.enqueue_indirect_dma source(%dma_start3A_140 : memref<16xf32, #tpu.memory_space<vmem>>) target(%dma_start3A_142 : memref<100096xf32, #tpu.memory_space<vmem_shared>>) offsets(%add3A_139 : vector<16xi32>) semaphore(%arg16 : memref<!tpu.dma_semaphore, #tpu.memory_space<semaphore_mem>>) {add = true}
      %add3A_143 = arith.constant 64 : i32
      %add3A_144 = arith.addi %add3A_114, %add3A_143 : i32
      %add3A_145 = vector.broadcast %add3A_144 : i32 to vector<16xi32>
      %add3A_146 = arith.addi %add3A_145, %iota3A : vector<16xi32>
      %dma_start3A_147 = tpu.memref_slice %arg14[%add3A_144] : memref<100096xf32, #tpu.memory_space<vmem>> -> memref<16xf32, #tpu.memory_space<vmem>>
      %dma_start3A_148 = arith.constant 0 : i32
      %dma_start3A_149 = tpu.memref_slice %arg15[%dma_start3A_148] : memref<100096xf32, #tpu.memory_space<vmem_shared>> -> memref<100096xf32, #tpu.memory_space<vmem_shared>>
      tpu.enqueue_indirect_dma source(%dma_start3A_147 : memref<16xf32, #tpu.memory_space<vmem>>) target(%dma_start3A_149 : memref<100096xf32, #tpu.memory_space<vmem_shared>>) offsets(%add3A_146 : vector<16xi32>) semaphore(%arg16 : memref<!tpu.dma_semaphore, #tpu.memory_space<semaphore_mem>>) {add = true}
      %add3A_150 = arith.constant 80 : i32
      %add3A_151 = arith.addi %add3A_114, %add3A_150 : i32
      %add3A_152 = vector.broadcast %add3A_151 : i32 to vector<16xi32>
      %add3A_153 = arith.addi %add3A_152, %iota3A : vector<16xi32>
      %dma_start3A_154 = tpu.memref_slice %arg14[%add3A_151] : memref<100096xf32, #tpu.memory_space<vmem>> -> memref<16xf32, #tpu.memory_space<vmem>>
      %dma_start3A_155 = arith.constant 0 : i32
      %dma_start3A_156 = tpu.memref_slice %arg15[%dma_start3A_155] : memref<100096xf32, #tpu.memory_space<vmem_shared>> -> memref<100096xf32, #tpu.memory_space<vmem_shared>>
      tpu.enqueue_indirect_dma source(%dma_start3A_154 : memref<16xf32, #tpu.memory_space<vmem>>) target(%dma_start3A_156 : memref<100096xf32, #tpu.memory_space<vmem_shared>>) offsets(%add3A_153 : vector<16xi32>) semaphore(%arg16 : memref<!tpu.dma_semaphore, #tpu.memory_space<semaphore_mem>>) {add = true}
      %add3A_157 = arith.constant 96 : i32
      %add3A_158 = arith.addi %add3A_114, %add3A_157 : i32
      %add3A_159 = vector.broadcast %add3A_158 : i32 to vector<16xi32>
      %add3A_160 = arith.addi %add3A_159, %iota3A : vector<16xi32>
      %dma_start3A_161 = tpu.memref_slice %arg14[%add3A_158] : memref<100096xf32, #tpu.memory_space<vmem>> -> memref<16xf32, #tpu.memory_space<vmem>>
      %dma_start3A_162 = arith.constant 0 : i32
      %dma_start3A_163 = tpu.memref_slice %arg15[%dma_start3A_162] : memref<100096xf32, #tpu.memory_space<vmem_shared>> -> memref<100096xf32, #tpu.memory_space<vmem_shared>>
      tpu.enqueue_indirect_dma source(%dma_start3A_161 : memref<16xf32, #tpu.memory_space<vmem>>) target(%dma_start3A_163 : memref<100096xf32, #tpu.memory_space<vmem_shared>>) offsets(%add3A_160 : vector<16xi32>) semaphore(%arg16 : memref<!tpu.dma_semaphore, #tpu.memory_space<semaphore_mem>>) {add = true}
      %add3A_164 = arith.constant 112 : i32
      %add3A_165 = arith.addi %add3A_114, %add3A_164 : i32
      %add3A_166 = vector.broadcast %add3A_165 : i32 to vector<16xi32>
      %add3A_167 = arith.addi %add3A_166, %iota3A : vector<16xi32>
      %dma_start3A_168 = tpu.memref_slice %arg14[%add3A_165] : memref<100096xf32, #tpu.memory_space<vmem>> -> memref<16xf32, #tpu.memory_space<vmem>>
      %dma_start3A_169 = arith.constant 0 : i32
      %dma_start3A_170 = tpu.memref_slice %arg15[%dma_start3A_169] : memref<100096xf32, #tpu.memory_space<vmem_shared>> -> memref<100096xf32, #tpu.memory_space<vmem_shared>>
      tpu.enqueue_indirect_dma source(%dma_start3A_168 : memref<16xf32, #tpu.memory_space<vmem>>) target(%dma_start3A_170 : memref<100096xf32, #tpu.memory_space<vmem_shared>>) offsets(%add3A_167 : vector<16xi32>) semaphore(%arg16 : memref<!tpu.dma_semaphore, #tpu.memory_space<semaphore_mem>>) {add = true}
      %add3A_171 = arith.constant 128 : i32
      %add3A_172 = arith.addi %add3A_114, %add3A_171 : i32
      %add3A_173 = vector.broadcast %add3A_172 : i32 to vector<16xi32>
      %add3A_174 = arith.addi %add3A_173, %iota3A : vector<16xi32>
      %dma_start3A_175 = tpu.memref_slice %arg14[%add3A_172] : memref<100096xf32, #tpu.memory_space<vmem>> -> memref<16xf32, #tpu.memory_space<vmem>>
      %dma_start3A_176 = arith.constant 0 : i32
      %dma_start3A_177 = tpu.memref_slice %arg15[%dma_start3A_176] : memref<100096xf32, #tpu.memory_space<vmem_shared>> -> memref<100096xf32, #tpu.memory_space<vmem_shared>>
      tpu.enqueue_indirect_dma source(%dma_start3A_175 : memref<16xf32, #tpu.memory_space<vmem>>) target(%dma_start3A_177 : memref<100096xf32, #tpu.memory_space<vmem_shared>>) offsets(%add3A_174 : vector<16xi32>) semaphore(%arg16 : memref<!tpu.dma_semaphore, #tpu.memory_space<semaphore_mem>>) {add = true}
      %add3A_178 = arith.constant 144 : i32
      %add3A_179 = arith.addi %add3A_114, %add3A_178 : i32
      %add3A_180 = vector.broadcast %add3A_179 : i32 to vector<16xi32>
      %add3A_181 = arith.addi %add3A_180, %iota3A : vector<16xi32>
      %dma_start3A_182 = tpu.memref_slice %arg14[%add3A_179] : memref<100096xf32, #tpu.memory_space<vmem>> -> memref<16xf32, #tpu.memory_space<vmem>>
      %dma_start3A_183 = arith.constant 0 : i32
      %dma_start3A_184 = tpu.memref_slice %arg15[%dma_start3A_183] : memref<100096xf32, #tpu.memory_space<vmem_shared>> -> memref<100096xf32, #tpu.memory_space<vmem_shared>>
      tpu.enqueue_indirect_dma source(%dma_start3A_182 : memref<16xf32, #tpu.memory_space<vmem>>) target(%dma_start3A_184 : memref<100096xf32, #tpu.memory_space<vmem_shared>>) offsets(%add3A_181 : vector<16xi32>) semaphore(%arg16 : memref<!tpu.dma_semaphore, #tpu.memory_space<semaphore_mem>>) {add = true}
      %add3A_185 = arith.constant 160 : i32
      %add3A_186 = arith.addi %add3A_114, %add3A_185 : i32
      %add3A_187 = vector.broadcast %add3A_186 : i32 to vector<16xi32>
      %add3A_188 = arith.addi %add3A_187, %iota3A : vector<16xi32>
      %dma_start3A_189 = tpu.memref_slice %arg14[%add3A_186] : memref<100096xf32, #tpu.memory_space<vmem>> -> memref<16xf32, #tpu.memory_space<vmem>>
      %dma_start3A_190 = arith.constant 0 : i32
      %dma_start3A_191 = tpu.memref_slice %arg15[%dma_start3A_190] : memref<100096xf32, #tpu.memory_space<vmem_shared>> -> memref<100096xf32, #tpu.memory_space<vmem_shared>>
      tpu.enqueue_indirect_dma source(%dma_start3A_189 : memref<16xf32, #tpu.memory_space<vmem>>) target(%dma_start3A_191 : memref<100096xf32, #tpu.memory_space<vmem_shared>>) offsets(%add3A_188 : vector<16xi32>) semaphore(%arg16 : memref<!tpu.dma_semaphore, #tpu.memory_space<semaphore_mem>>) {add = true}
      %add3A_192 = arith.constant 176 : i32
      %add3A_193 = arith.addi %add3A_114, %add3A_192 : i32
      %add3A_194 = vector.broadcast %add3A_193 : i32 to vector<16xi32>
      %add3A_195 = arith.addi %add3A_194, %iota3A : vector<16xi32>
      %dma_start3A_196 = tpu.memref_slice %arg14[%add3A_193] : memref<100096xf32, #tpu.memory_space<vmem>> -> memref<16xf32, #tpu.memory_space<vmem>>
      %dma_start3A_197 = arith.constant 0 : i32
      %dma_start3A_198 = tpu.memref_slice %arg15[%dma_start3A_197] : memref<100096xf32, #tpu.memory_space<vmem_shared>> -> memref<100096xf32, #tpu.memory_space<vmem_shared>>
      tpu.enqueue_indirect_dma source(%dma_start3A_196 : memref<16xf32, #tpu.memory_space<vmem>>) target(%dma_start3A_198 : memref<100096xf32, #tpu.memory_space<vmem_shared>>) offsets(%add3A_195 : vector<16xi32>) semaphore(%arg16 : memref<!tpu.dma_semaphore, #tpu.memory_space<semaphore_mem>>) {add = true}
      %add3A_199 = arith.constant 192 : i32
      %add3A_200 = arith.addi %add3A_114, %add3A_199 : i32
      %add3A_201 = vector.broadcast %add3A_200 : i32 to vector<16xi32>
      %add3A_202 = arith.addi %add3A_201, %iota3A : vector<16xi32>
      %dma_start3A_203 = tpu.memref_slice %arg14[%add3A_200] : memref<100096xf32, #tpu.memory_space<vmem>> -> memref<16xf32, #tpu.memory_space<vmem>>
      %dma_start3A_204 = arith.constant 0 : i32
      %dma_start3A_205 = tpu.memref_slice %arg15[%dma_start3A_204] : memref<100096xf32, #tpu.memory_space<vmem_shared>> -> memref<100096xf32, #tpu.memory_space<vmem_shared>>
      tpu.enqueue_indirect_dma source(%dma_start3A_203 : memref<16xf32, #tpu.memory_space<vmem>>) target(%dma_start3A_205 : memref<100096xf32, #tpu.memory_space<vmem_shared>>) offsets(%add3A_202 : vector<16xi32>) semaphore(%arg16 : memref<!tpu.dma_semaphore, #tpu.memory_space<semaphore_mem>>) {add = true}
      %add3A_206 = arith.constant 208 : i32
      %add3A_207 = arith.addi %add3A_114, %add3A_206 : i32
      %add3A_208 = vector.broadcast %add3A_207 : i32 to vector<16xi32>
      %add3A_209 = arith.addi %add3A_208, %iota3A : vector<16xi32>
      %dma_start3A_210 = tpu.memref_slice %arg14[%add3A_207] : memref<100096xf32, #tpu.memory_space<vmem>> -> memref<16xf32, #tpu.memory_space<vmem>>
      %dma_start3A_211 = arith.constant 0 : i32
      %dma_start3A_212 = tpu.memref_slice %arg15[%dma_start3A_211] : memref<100096xf32, #tpu.memory_space<vmem_shared>> -> memref<100096xf32, #tpu.memory_space<vmem_shared>>
      tpu.enqueue_indirect_dma source(%dma_start3A_210 : memref<16xf32, #tpu.memory_space<vmem>>) target(%dma_start3A_212 : memref<100096xf32, #tpu.memory_space<vmem_shared>>) offsets(%add3A_209 : vector<16xi32>) semaphore(%arg16 : memref<!tpu.dma_semaphore, #tpu.memory_space<semaphore_mem>>) {add = true}
      %add3A_213 = arith.constant 224 : i32
      %add3A_214 = arith.addi %add3A_114, %add3A_213 : i32
      %add3A_215 = vector.broadcast %add3A_214 : i32 to vector<16xi32>
      %add3A_216 = arith.addi %add3A_215, %iota3A : vector<16xi32>
      %dma_start3A_217 = tpu.memref_slice %arg14[%add3A_214] : memref<100096xf32, #tpu.memory_space<vmem>> -> memref<16xf32, #tpu.memory_space<vmem>>
      %dma_start3A_218 = arith.constant 0 : i32
      %dma_start3A_219 = tpu.memref_slice %arg15[%dma_start3A_218] : memref<100096xf32, #tpu.memory_space<vmem_shared>> -> memref<100096xf32, #tpu.memory_space<vmem_shared>>
      tpu.enqueue_indirect_dma source(%dma_start3A_217 : memref<16xf32, #tpu.memory_space<vmem>>) target(%dma_start3A_219 : memref<100096xf32, #tpu.memory_space<vmem_shared>>) offsets(%add3A_216 : vector<16xi32>) semaphore(%arg16 : memref<!tpu.dma_semaphore, #tpu.memory_space<semaphore_mem>>) {add = true}
      %add3A_220 = arith.constant 240 : i32
      %add3A_221 = arith.addi %add3A_114, %add3A_220 : i32
      %add3A_222 = vector.broadcast %add3A_221 : i32 to vector<16xi32>
      %add3A_223 = arith.addi %add3A_222, %iota3A : vector<16xi32>
      %dma_start3A_224 = tpu.memref_slice %arg14[%add3A_221] : memref<100096xf32, #tpu.memory_space<vmem>> -> memref<16xf32, #tpu.memory_space<vmem>>
      %dma_start3A_225 = arith.constant 0 : i32
      %dma_start3A_226 = tpu.memref_slice %arg15[%dma_start3A_225] : memref<100096xf32, #tpu.memory_space<vmem_shared>> -> memref<100096xf32, #tpu.memory_space<vmem_shared>>
      tpu.enqueue_indirect_dma source(%dma_start3A_224 : memref<16xf32, #tpu.memory_space<vmem>>) target(%dma_start3A_226 : memref<100096xf32, #tpu.memory_space<vmem_shared>>) offsets(%add3A_223 : vector<16xi32>) semaphore(%arg16 : memref<!tpu.dma_semaphore, #tpu.memory_space<semaphore_mem>>) {add = true}
      %add3A_227 = arith.constant 0 : i32
      %add3A_228 = arith.addi %add3A_114, %add3A_227 : i32
      %add3A_229 = vector.broadcast %add3A_228 : i32 to vector<16xi32>
      %add3A_230 = arith.addi %add3A_229, %iota3A : vector<16xi32>
      %dma_wait3A = tpu.memref_slice %arg14[%add3A_228] : memref<100096xf32, #tpu.memory_space<vmem>> -> memref<16xf32, #tpu.memory_space<vmem>>
      %dma_wait3A_231 = arith.constant 0 : i32
      %dma_wait3A_232 = tpu.memref_slice %arg15[%dma_wait3A_231] : memref<100096xf32, #tpu.memory_space<vmem_shared>> -> memref<100096xf32, #tpu.memory_space<vmem_shared>>
      tpu.wait_indirect_dma semaphore(%arg16 : memref<!tpu.dma_semaphore, #tpu.memory_space<semaphore_mem>>) src(%dma_wait3A : memref<16xf32, #tpu.memory_space<vmem>>) dst(%dma_wait3A_232 : memref<100096xf32, #tpu.memory_space<vmem_shared>>)
      %add3A_233 = arith.constant 16 : i32
      %add3A_234 = arith.addi %add3A_114, %add3A_233 : i32
      %add3A_235 = vector.broadcast %add3A_234 : i32 to vector<16xi32>
      %add3A_236 = arith.addi %add3A_235, %iota3A : vector<16xi32>
      %dma_wait3A_237 = tpu.memref_slice %arg14[%add3A_234] : memref<100096xf32, #tpu.memory_space<vmem>> -> memref<16xf32, #tpu.memory_space<vmem>>
      %dma_wait3A_238 = arith.constant 0 : i32
      %dma_wait3A_239 = tpu.memref_slice %arg15[%dma_wait3A_238] : memref<100096xf32, #tpu.memory_space<vmem_shared>> -> memref<100096xf32, #tpu.memory_space<vmem_shared>>
      tpu.wait_indirect_dma semaphore(%arg16 : memref<!tpu.dma_semaphore, #tpu.memory_space<semaphore_mem>>) src(%dma_wait3A_237 : memref<16xf32, #tpu.memory_space<vmem>>) dst(%dma_wait3A_239 : memref<100096xf32, #tpu.memory_space<vmem_shared>>)
      %add3A_240 = arith.constant 32 : i32
      %add3A_241 = arith.addi %add3A_114, %add3A_240 : i32
      %add3A_242 = vector.broadcast %add3A_241 : i32 to vector<16xi32>
      %add3A_243 = arith.addi %add3A_242, %iota3A : vector<16xi32>
      %dma_wait3A_244 = tpu.memref_slice %arg14[%add3A_241] : memref<100096xf32, #tpu.memory_space<vmem>> -> memref<16xf32, #tpu.memory_space<vmem>>
      %dma_wait3A_245 = arith.constant 0 : i32
      %dma_wait3A_246 = tpu.memref_slice %arg15[%dma_wait3A_245] : memref<100096xf32, #tpu.memory_space<vmem_shared>> -> memref<100096xf32, #tpu.memory_space<vmem_shared>>
      tpu.wait_indirect_dma semaphore(%arg16 : memref<!tpu.dma_semaphore, #tpu.memory_space<semaphore_mem>>) src(%dma_wait3A_244 : memref<16xf32, #tpu.memory_space<vmem>>) dst(%dma_wait3A_246 : memref<100096xf32, #tpu.memory_space<vmem_shared>>)
      %add3A_247 = arith.constant 48 : i32
      %add3A_248 = arith.addi %add3A_114, %add3A_247 : i32
      %add3A_249 = vector.broadcast %add3A_248 : i32 to vector<16xi32>
      %add3A_250 = arith.addi %add3A_249, %iota3A : vector<16xi32>
      %dma_wait3A_251 = tpu.memref_slice %arg14[%add3A_248] : memref<100096xf32, #tpu.memory_space<vmem>> -> memref<16xf32, #tpu.memory_space<vmem>>
      %dma_wait3A_252 = arith.constant 0 : i32
      %dma_wait3A_253 = tpu.memref_slice %arg15[%dma_wait3A_252] : memref<100096xf32, #tpu.memory_space<vmem_shared>> -> memref<100096xf32, #tpu.memory_space<vmem_shared>>
      tpu.wait_indirect_dma semaphore(%arg16 : memref<!tpu.dma_semaphore, #tpu.memory_space<semaphore_mem>>) src(%dma_wait3A_251 : memref<16xf32, #tpu.memory_space<vmem>>) dst(%dma_wait3A_253 : memref<100096xf32, #tpu.memory_space<vmem_shared>>)
      %add3A_254 = arith.constant 64 : i32
      %add3A_255 = arith.addi %add3A_114, %add3A_254 : i32
      %add3A_256 = vector.broadcast %add3A_255 : i32 to vector<16xi32>
      %add3A_257 = arith.addi %add3A_256, %iota3A : vector<16xi32>
      %dma_wait3A_258 = tpu.memref_slice %arg14[%add3A_255] : memref<100096xf32, #tpu.memory_space<vmem>> -> memref<16xf32, #tpu.memory_space<vmem>>
      %dma_wait3A_259 = arith.constant 0 : i32
      %dma_wait3A_260 = tpu.memref_slice %arg15[%dma_wait3A_259] : memref<100096xf32, #tpu.memory_space<vmem_shared>> -> memref<100096xf32, #tpu.memory_space<vmem_shared>>
      tpu.wait_indirect_dma semaphore(%arg16 : memref<!tpu.dma_semaphore, #tpu.memory_space<semaphore_mem>>) src(%dma_wait3A_258 : memref<16xf32, #tpu.memory_space<vmem>>) dst(%dma_wait3A_260 : memref<100096xf32, #tpu.memory_space<vmem_shared>>)
      %add3A_261 = arith.constant 80 : i32
      %add3A_262 = arith.addi %add3A_114, %add3A_261 : i32
      %add3A_263 = vector.broadcast %add3A_262 : i32 to vector<16xi32>
      %add3A_264 = arith.addi %add3A_263, %iota3A : vector<16xi32>
      %dma_wait3A_265 = tpu.memref_slice %arg14[%add3A_262] : memref<100096xf32, #tpu.memory_space<vmem>> -> memref<16xf32, #tpu.memory_space<vmem>>
      %dma_wait3A_266 = arith.constant 0 : i32
      %dma_wait3A_267 = tpu.memref_slice %arg15[%dma_wait3A_266] : memref<100096xf32, #tpu.memory_space<vmem_shared>> -> memref<100096xf32, #tpu.memory_space<vmem_shared>>
      tpu.wait_indirect_dma semaphore(%arg16 : memref<!tpu.dma_semaphore, #tpu.memory_space<semaphore_mem>>) src(%dma_wait3A_265 : memref<16xf32, #tpu.memory_space<vmem>>) dst(%dma_wait3A_267 : memref<100096xf32, #tpu.memory_space<vmem_shared>>)
      %add3A_268 = arith.constant 96 : i32
      %add3A_269 = arith.addi %add3A_114, %add3A_268 : i32
      %add3A_270 = vector.broadcast %add3A_269 : i32 to vector<16xi32>
      %add3A_271 = arith.addi %add3A_270, %iota3A : vector<16xi32>
      %dma_wait3A_272 = tpu.memref_slice %arg14[%add3A_269] : memref<100096xf32, #tpu.memory_space<vmem>> -> memref<16xf32, #tpu.memory_space<vmem>>
      %dma_wait3A_273 = arith.constant 0 : i32
      %dma_wait3A_274 = tpu.memref_slice %arg15[%dma_wait3A_273] : memref<100096xf32, #tpu.memory_space<vmem_shared>> -> memref<100096xf32, #tpu.memory_space<vmem_shared>>
      tpu.wait_indirect_dma semaphore(%arg16 : memref<!tpu.dma_semaphore, #tpu.memory_space<semaphore_mem>>) src(%dma_wait3A_272 : memref<16xf32, #tpu.memory_space<vmem>>) dst(%dma_wait3A_274 : memref<100096xf32, #tpu.memory_space<vmem_shared>>)
      %add3A_275 = arith.constant 112 : i32
      %add3A_276 = arith.addi %add3A_114, %add3A_275 : i32
      %add3A_277 = vector.broadcast %add3A_276 : i32 to vector<16xi32>
      %add3A_278 = arith.addi %add3A_277, %iota3A : vector<16xi32>
      %dma_wait3A_279 = tpu.memref_slice %arg14[%add3A_276] : memref<100096xf32, #tpu.memory_space<vmem>> -> memref<16xf32, #tpu.memory_space<vmem>>
      %dma_wait3A_280 = arith.constant 0 : i32
      %dma_wait3A_281 = tpu.memref_slice %arg15[%dma_wait3A_280] : memref<100096xf32, #tpu.memory_space<vmem_shared>> -> memref<100096xf32, #tpu.memory_space<vmem_shared>>
      tpu.wait_indirect_dma semaphore(%arg16 : memref<!tpu.dma_semaphore, #tpu.memory_space<semaphore_mem>>) src(%dma_wait3A_279 : memref<16xf32, #tpu.memory_space<vmem>>) dst(%dma_wait3A_281 : memref<100096xf32, #tpu.memory_space<vmem_shared>>)
      %add3A_282 = arith.constant 128 : i32
      %add3A_283 = arith.addi %add3A_114, %add3A_282 : i32
      %add3A_284 = vector.broadcast %add3A_283 : i32 to vector<16xi32>
      %add3A_285 = arith.addi %add3A_284, %iota3A : vector<16xi32>
      %dma_wait3A_286 = tpu.memref_slice %arg14[%add3A_283] : memref<100096xf32, #tpu.memory_space<vmem>> -> memref<16xf32, #tpu.memory_space<vmem>>
      %dma_wait3A_287 = arith.constant 0 : i32
      %dma_wait3A_288 = tpu.memref_slice %arg15[%dma_wait3A_287] : memref<100096xf32, #tpu.memory_space<vmem_shared>> -> memref<100096xf32, #tpu.memory_space<vmem_shared>>
      tpu.wait_indirect_dma semaphore(%arg16 : memref<!tpu.dma_semaphore, #tpu.memory_space<semaphore_mem>>) src(%dma_wait3A_286 : memref<16xf32, #tpu.memory_space<vmem>>) dst(%dma_wait3A_288 : memref<100096xf32, #tpu.memory_space<vmem_shared>>)
      %add3A_289 = arith.constant 144 : i32
      %add3A_290 = arith.addi %add3A_114, %add3A_289 : i32
      %add3A_291 = vector.broadcast %add3A_290 : i32 to vector<16xi32>
      %add3A_292 = arith.addi %add3A_291, %iota3A : vector<16xi32>
      %dma_wait3A_293 = tpu.memref_slice %arg14[%add3A_290] : memref<100096xf32, #tpu.memory_space<vmem>> -> memref<16xf32, #tpu.memory_space<vmem>>
      %dma_wait3A_294 = arith.constant 0 : i32
      %dma_wait3A_295 = tpu.memref_slice %arg15[%dma_wait3A_294] : memref<100096xf32, #tpu.memory_space<vmem_shared>> -> memref<100096xf32, #tpu.memory_space<vmem_shared>>
      tpu.wait_indirect_dma semaphore(%arg16 : memref<!tpu.dma_semaphore, #tpu.memory_space<semaphore_mem>>) src(%dma_wait3A_293 : memref<16xf32, #tpu.memory_space<vmem>>) dst(%dma_wait3A_295 : memref<100096xf32, #tpu.memory_space<vmem_shared>>)
      %add3A_296 = arith.constant 160 : i32
      %add3A_297 = arith.addi %add3A_114, %add3A_296 : i32
      %add3A_298 = vector.broadcast %add3A_297 : i32 to vector<16xi32>
      %add3A_299 = arith.addi %add3A_298, %iota3A : vector<16xi32>
      %dma_wait3A_300 = tpu.memref_slice %arg14[%add3A_297] : memref<100096xf32, #tpu.memory_space<vmem>> -> memref<16xf32, #tpu.memory_space<vmem>>
      %dma_wait3A_301 = arith.constant 0 : i32
      %dma_wait3A_302 = tpu.memref_slice %arg15[%dma_wait3A_301] : memref<100096xf32, #tpu.memory_space<vmem_shared>> -> memref<100096xf32, #tpu.memory_space<vmem_shared>>
      tpu.wait_indirect_dma semaphore(%arg16 : memref<!tpu.dma_semaphore, #tpu.memory_space<semaphore_mem>>) src(%dma_wait3A_300 : memref<16xf32, #tpu.memory_space<vmem>>) dst(%dma_wait3A_302 : memref<100096xf32, #tpu.memory_space<vmem_shared>>)
      %add3A_303 = arith.constant 176 : i32
      %add3A_304 = arith.addi %add3A_114, %add3A_303 : i32
      %add3A_305 = vector.broadcast %add3A_304 : i32 to vector<16xi32>
      %add3A_306 = arith.addi %add3A_305, %iota3A : vector<16xi32>
      %dma_wait3A_307 = tpu.memref_slice %arg14[%add3A_304] : memref<100096xf32, #tpu.memory_space<vmem>> -> memref<16xf32, #tpu.memory_space<vmem>>
      %dma_wait3A_308 = arith.constant 0 : i32
      %dma_wait3A_309 = tpu.memref_slice %arg15[%dma_wait3A_308] : memref<100096xf32, #tpu.memory_space<vmem_shared>> -> memref<100096xf32, #tpu.memory_space<vmem_shared>>
      tpu.wait_indirect_dma semaphore(%arg16 : memref<!tpu.dma_semaphore, #tpu.memory_space<semaphore_mem>>) src(%dma_wait3A_307 : memref<16xf32, #tpu.memory_space<vmem>>) dst(%dma_wait3A_309 : memref<100096xf32, #tpu.memory_space<vmem_shared>>)
      %add3A_310 = arith.constant 192 : i32
      %add3A_311 = arith.addi %add3A_114, %add3A_310 : i32
      %add3A_312 = vector.broadcast %add3A_311 : i32 to vector<16xi32>
      %add3A_313 = arith.addi %add3A_312, %iota3A : vector<16xi32>
      %dma_wait3A_314 = tpu.memref_slice %arg14[%add3A_311] : memref<100096xf32, #tpu.memory_space<vmem>> -> memref<16xf32, #tpu.memory_space<vmem>>
      %dma_wait3A_315 = arith.constant 0 : i32
      %dma_wait3A_316 = tpu.memref_slice %arg15[%dma_wait3A_315] : memref<100096xf32, #tpu.memory_space<vmem_shared>> -> memref<100096xf32, #tpu.memory_space<vmem_shared>>
      tpu.wait_indirect_dma semaphore(%arg16 : memref<!tpu.dma_semaphore, #tpu.memory_space<semaphore_mem>>) src(%dma_wait3A_314 : memref<16xf32, #tpu.memory_space<vmem>>) dst(%dma_wait3A_316 : memref<100096xf32, #tpu.memory_space<vmem_shared>>)
      %add3A_317 = arith.constant 208 : i32
      %add3A_318 = arith.addi %add3A_114, %add3A_317 : i32
      %add3A_319 = vector.broadcast %add3A_318 : i32 to vector<16xi32>
      %add3A_320 = arith.addi %add3A_319, %iota3A : vector<16xi32>
      %dma_wait3A_321 = tpu.memref_slice %arg14[%add3A_318] : memref<100096xf32, #tpu.memory_space<vmem>> -> memref<16xf32, #tpu.memory_space<vmem>>
      %dma_wait3A_322 = arith.constant 0 : i32
      %dma_wait3A_323 = tpu.memref_slice %arg15[%dma_wait3A_322] : memref<100096xf32, #tpu.memory_space<vmem_shared>> -> memref<100096xf32, #tpu.memory_space<vmem_shared>>
      tpu.wait_indirect_dma semaphore(%arg16 : memref<!tpu.dma_semaphore, #tpu.memory_space<semaphore_mem>>) src(%dma_wait3A_321 : memref<16xf32, #tpu.memory_space<vmem>>) dst(%dma_wait3A_323 : memref<100096xf32, #tpu.memory_space<vmem_shared>>)
      %add3A_324 = arith.constant 224 : i32
      %add3A_325 = arith.addi %add3A_114, %add3A_324 : i32
      %add3A_326 = vector.broadcast %add3A_325 : i32 to vector<16xi32>
      %add3A_327 = arith.addi %add3A_326, %iota3A : vector<16xi32>
      %dma_wait3A_328 = tpu.memref_slice %arg14[%add3A_325] : memref<100096xf32, #tpu.memory_space<vmem>> -> memref<16xf32, #tpu.memory_space<vmem>>
      %dma_wait3A_329 = arith.constant 0 : i32
      %dma_wait3A_330 = tpu.memref_slice %arg15[%dma_wait3A_329] : memref<100096xf32, #tpu.memory_space<vmem_shared>> -> memref<100096xf32, #tpu.memory_space<vmem_shared>>
      tpu.wait_indirect_dma semaphore(%arg16 : memref<!tpu.dma_semaphore, #tpu.memory_space<semaphore_mem>>) src(%dma_wait3A_328 : memref<16xf32, #tpu.memory_space<vmem>>) dst(%dma_wait3A_330 : memref<100096xf32, #tpu.memory_space<vmem_shared>>)
      %add3A_331 = arith.constant 240 : i32
      %add3A_332 = arith.addi %add3A_114, %add3A_331 : i32
      %add3A_333 = vector.broadcast %add3A_332 : i32 to vector<16xi32>
      %add3A_334 = arith.addi %add3A_333, %iota3A : vector<16xi32>
      %dma_wait3A_335 = tpu.memref_slice %arg14[%add3A_332] : memref<100096xf32, #tpu.memory_space<vmem>> -> memref<16xf32, #tpu.memory_space<vmem>>
      %dma_wait3A_336 = arith.constant 0 : i32
      %dma_wait3A_337 = tpu.memref_slice %arg15[%dma_wait3A_336] : memref<100096xf32, #tpu.memory_space<vmem_shared>> -> memref<100096xf32, #tpu.memory_space<vmem_shared>>
      tpu.wait_indirect_dma semaphore(%arg16 : memref<!tpu.dma_semaphore, #tpu.memory_space<semaphore_mem>>) src(%dma_wait3A_335 : memref<16xf32, #tpu.memory_space<vmem>>) dst(%dma_wait3A_337 : memref<100096xf32, #tpu.memory_space<vmem_shared>>)
      %while3A_338 = arith.constant 0 : i32
      scf.yield %while3A_338 : i32
    }
    %while3A_102 = arith.constant 1 : i32
    %while3A_103 = scf.for %while3A_110 = %while3A_99 to %while3A_95 step %while3A_102 iter_args(%while3A_111 = %while3A_101) -> (i32)  : i32 {
      %mul3A_112 = arith.constant 256 : i32
      %mul3A_113 = arith.muli %while3A_110, %mul3A_112 : i32
      %add3A_114 = arith.addi %mul3A_63, %mul3A_113 : i32
      %add3A_115 = arith.constant 0 : i32
      %add3A_116 = arith.addi %add3A_114, %add3A_115 : i32
      %add3A_117 = vector.broadcast %add3A_116 : i32 to vector<16xi32>
      %add3A_118 = arith.addi %add3A_117, %iota3A : vector<16xi32>
      %dma_start3A_119 = tpu.memref_slice %arg14[%add3A_116] : memref<100096xf32, #tpu.memory_space<vmem>> -> memref<16xf32, #tpu.memory_space<vmem>>
      %dma_start3A_120 = arith.constant 0 : i32
      %dma_start3A_121 = tpu.memref_slice %arg15[%dma_start3A_120] : memref<100096xf32, #tpu.memory_space<vmem_shared>> -> memref<100096xf32, #tpu.memory_space<vmem_shared>>
      tpu.enqueue_indirect_dma source(%dma_start3A_119 : memref<16xf32, #tpu.memory_space<vmem>>) target(%dma_start3A_121 : memref<100096xf32, #tpu.memory_space<vmem_shared>>) offsets(%add3A_118 : vector<16xi32>) semaphore(%arg16 : memref<!tpu.dma_semaphore, #tpu.memory_space<semaphore_mem>>) {add = true}
      %add3A_122 = arith.constant 16 : i32
      %add3A_123 = arith.addi %add3A_114, %add3A_122 : i32
      %add3A_124 = vector.broadcast %add3A_123 : i32 to vector<16xi32>
      %add3A_125 = arith.addi %add3A_124, %iota3A : vector<16xi32>
      %dma_start3A_126 = tpu.memref_slice %arg14[%add3A_123] : memref<100096xf32, #tpu.memory_space<vmem>> -> memref<16xf32, #tpu.memory_space<vmem>>
      %dma_start3A_127 = arith.constant 0 : i32
      %dma_start3A_128 = tpu.memref_slice %arg15[%dma_start3A_127] : memref<100096xf32, #tpu.memory_space<vmem_shared>> -> memref<100096xf32, #tpu.memory_space<vmem_shared>>
      tpu.enqueue_indirect_dma source(%dma_start3A_126 : memref<16xf32, #tpu.memory_space<vmem>>) target(%dma_start3A_128 : memref<100096xf32, #tpu.memory_space<vmem_shared>>) offsets(%add3A_125 : vector<16xi32>) semaphore(%arg16 : memref<!tpu.dma_semaphore, #tpu.memory_space<semaphore_mem>>) {add = true}
      %add3A_129 = arith.constant 32 : i32
      %add3A_130 = arith.addi %add3A_114, %add3A_129 : i32
      %add3A_131 = vector.broadcast %add3A_130 : i32 to vector<16xi32>
      %add3A_132 = arith.addi %add3A_131, %iota3A : vector<16xi32>
      %dma_start3A_133 = tpu.memref_slice %arg14[%add3A_130] : memref<100096xf32, #tpu.memory_space<vmem>> -> memref<16xf32, #tpu.memory_space<vmem>>
      %dma_start3A_134 = arith.constant 0 : i32
      %dma_start3A_135 = tpu.memref_slice %arg15[%dma_start3A_134] : memref<100096xf32, #tpu.memory_space<vmem_shared>> -> memref<100096xf32, #tpu.memory_space<vmem_shared>>
      tpu.enqueue_indirect_dma source(%dma_start3A_133 : memref<16xf32, #tpu.memory_space<vmem>>) target(%dma_start3A_135 : memref<100096xf32, #tpu.memory_space<vmem_shared>>) offsets(%add3A_132 : vector<16xi32>) semaphore(%arg16 : memref<!tpu.dma_semaphore, #tpu.memory_space<semaphore_mem>>) {add = true}
      %add3A_136 = arith.constant 48 : i32
      %add3A_137 = arith.addi %add3A_114, %add3A_136 : i32
      %add3A_138 = vector.broadcast %add3A_137 : i32 to vector<16xi32>
      %add3A_139 = arith.addi %add3A_138, %iota3A : vector<16xi32>
      %dma_start3A_140 = tpu.memref_slice %arg14[%add3A_137] : memref<100096xf32, #tpu.memory_space<vmem>> -> memref<16xf32, #tpu.memory_space<vmem>>
      %dma_start3A_141 = arith.constant 0 : i32
      %dma_start3A_142 = tpu.memref_slice %arg15[%dma_start3A_141] : memref<100096xf32, #tpu.memory_space<vmem_shared>> -> memref<100096xf32, #tpu.memory_space<vmem_shared>>
      tpu.enqueue_indirect_dma source(%dma_start3A_140 : memref<16xf32, #tpu.memory_space<vmem>>) target(%dma_start3A_142 : memref<100096xf32, #tpu.memory_space<vmem_shared>>) offsets(%add3A_139 : vector<16xi32>) semaphore(%arg16 : memref<!tpu.dma_semaphore, #tpu.memory_space<semaphore_mem>>) {add = true}
      %add3A_143 = arith.constant 64 : i32
      %add3A_144 = arith.addi %add3A_114, %add3A_143 : i32
      %add3A_145 = vector.broadcast %add3A_144 : i32 to vector<16xi32>
      %add3A_146 = arith.addi %add3A_145, %iota3A : vector<16xi32>
      %dma_start3A_147 = tpu.memref_slice %arg14[%add3A_144] : memref<100096xf32, #tpu.memory_space<vmem>> -> memref<16xf32, #tpu.memory_space<vmem>>
      %dma_start3A_148 = arith.constant 0 : i32
      %dma_start3A_149 = tpu.memref_slice %arg15[%dma_start3A_148] : memref<100096xf32, #tpu.memory_space<vmem_shared>> -> memref<100096xf32, #tpu.memory_space<vmem_shared>>
      tpu.enqueue_indirect_dma source(%dma_start3A_147 : memref<16xf32, #tpu.memory_space<vmem>>) target(%dma_start3A_149 : memref<100096xf32, #tpu.memory_space<vmem_shared>>) offsets(%add3A_146 : vector<16xi32>) semaphore(%arg16 : memref<!tpu.dma_semaphore, #tpu.memory_space<semaphore_mem>>) {add = true}
      %add3A_150 = arith.constant 80 : i32
      %add3A_151 = arith.addi %add3A_114, %add3A_150 : i32
      %add3A_152 = vector.broadcast %add3A_151 : i32 to vector<16xi32>
      %add3A_153 = arith.addi %add3A_152, %iota3A : vector<16xi32>
      %dma_start3A_154 = tpu.memref_slice %arg14[%add3A_151] : memref<100096xf32, #tpu.memory_space<vmem>> -> memref<16xf32, #tpu.memory_space<vmem>>
      %dma_start3A_155 = arith.constant 0 : i32
      %dma_start3A_156 = tpu.memref_slice %arg15[%dma_start3A_155] : memref<100096xf32, #tpu.memory_space<vmem_shared>> -> memref<100096xf32, #tpu.memory_space<vmem_shared>>
      tpu.enqueue_indirect_dma source(%dma_start3A_154 : memref<16xf32, #tpu.memory_space<vmem>>) target(%dma_start3A_156 : memref<100096xf32, #tpu.memory_space<vmem_shared>>) offsets(%add3A_153 : vector<16xi32>) semaphore(%arg16 : memref<!tpu.dma_semaphore, #tpu.memory_space<semaphore_mem>>) {add = true}
      %add3A_157 = arith.constant 96 : i32
      %add3A_158 = arith.addi %add3A_114, %add3A_157 : i32
      %add3A_159 = vector.broadcast %add3A_158 : i32 to vector<16xi32>
      %add3A_160 = arith.addi %add3A_159, %iota3A : vector<16xi32>
      %dma_start3A_161 = tpu.memref_slice %arg14[%add3A_158] : memref<100096xf32, #tpu.memory_space<vmem>> -> memref<16xf32, #tpu.memory_space<vmem>>
      %dma_start3A_162 = arith.constant 0 : i32
      %dma_start3A_163 = tpu.memref_slice %arg15[%dma_start3A_162] : memref<100096xf32, #tpu.memory_space<vmem_shared>> -> memref<100096xf32, #tpu.memory_space<vmem_shared>>
      tpu.enqueue_indirect_dma source(%dma_start3A_161 : memref<16xf32, #tpu.memory_space<vmem>>) target(%dma_start3A_163 : memref<100096xf32, #tpu.memory_space<vmem_shared>>) offsets(%add3A_160 : vector<16xi32>) semaphore(%arg16 : memref<!tpu.dma_semaphore, #tpu.memory_space<semaphore_mem>>) {add = true}
      %add3A_164 = arith.constant 112 : i32
      %add3A_165 = arith.addi %add3A_114, %add3A_164 : i32
      %add3A_166 = vector.broadcast %add3A_165 : i32 to vector<16xi32>
      %add3A_167 = arith.addi %add3A_166, %iota3A : vector<16xi32>
      %dma_start3A_168 = tpu.memref_slice %arg14[%add3A_165] : memref<100096xf32, #tpu.memory_space<vmem>> -> memref<16xf32, #tpu.memory_space<vmem>>
      %dma_start3A_169 = arith.constant 0 : i32
      %dma_start3A_170 = tpu.memref_slice %arg15[%dma_start3A_169] : memref<100096xf32, #tpu.memory_space<vmem_shared>> -> memref<100096xf32, #tpu.memory_space<vmem_shared>>
      tpu.enqueue_indirect_dma source(%dma_start3A_168 : memref<16xf32, #tpu.memory_space<vmem>>) target(%dma_start3A_170 : memref<100096xf32, #tpu.memory_space<vmem_shared>>) offsets(%add3A_167 : vector<16xi32>) semaphore(%arg16 : memref<!tpu.dma_semaphore, #tpu.memory_space<semaphore_mem>>) {add = true}
      %add3A_171 = arith.constant 128 : i32
      %add3A_172 = arith.addi %add3A_114, %add3A_171 : i32
      %add3A_173 = vector.broadcast %add3A_172 : i32 to vector<16xi32>
      %add3A_174 = arith.addi %add3A_173, %iota3A : vector<16xi32>
      %dma_start3A_175 = tpu.memref_slice %arg14[%add3A_172] : memref<100096xf32, #tpu.memory_space<vmem>> -> memref<16xf32, #tpu.memory_space<vmem>>
      %dma_start3A_176 = arith.constant 0 : i32
      %dma_start3A_177 = tpu.memref_slice %arg15[%dma_start3A_176] : memref<100096xf32, #tpu.memory_space<vmem_shared>> -> memref<100096xf32, #tpu.memory_space<vmem_shared>>
      tpu.enqueue_indirect_dma source(%dma_start3A_175 : memref<16xf32, #tpu.memory_space<vmem>>) target(%dma_start3A_177 : memref<100096xf32, #tpu.memory_space<vmem_shared>>) offsets(%add3A_174 : vector<16xi32>) semaphore(%arg16 : memref<!tpu.dma_semaphore, #tpu.memory_space<semaphore_mem>>) {add = true}
      %add3A_178 = arith.constant 144 : i32
      %add3A_179 = arith.addi %add3A_114, %add3A_178 : i32
      %add3A_180 = vector.broadcast %add3A_179 : i32 to vector<16xi32>
      %add3A_181 = arith.addi %add3A_180, %iota3A : vector<16xi32>
      %dma_start3A_182 = tpu.memref_slice %arg14[%add3A_179] : memref<100096xf32, #tpu.memory_space<vmem>> -> memref<16xf32, #tpu.memory_space<vmem>>
      %dma_start3A_183 = arith.constant 0 : i32
      %dma_start3A_184 = tpu.memref_slice %arg15[%dma_start3A_183] : memref<100096xf32, #tpu.memory_space<vmem_shared>> -> memref<100096xf32, #tpu.memory_space<vmem_shared>>
      tpu.enqueue_indirect_dma source(%dma_start3A_182 : memref<16xf32, #tpu.memory_space<vmem>>) target(%dma_start3A_184 : memref<100096xf32, #tpu.memory_space<vmem_shared>>) offsets(%add3A_181 : vector<16xi32>) semaphore(%arg16 : memref<!tpu.dma_semaphore, #tpu.memory_space<semaphore_mem>>) {add = true}
      %add3A_185 = arith.constant 160 : i32
      %add3A_186 = arith.addi %add3A_114, %add3A_185 : i32
      %add3A_187 = vector.broadcast %add3A_186 : i32 to vector<16xi32>
      %add3A_188 = arith.addi %add3A_187, %iota3A : vector<16xi32>
      %dma_start3A_189 = tpu.memref_slice %arg14[%add3A_186] : memref<100096xf32, #tpu.memory_space<vmem>> -> memref<16xf32, #tpu.memory_space<vmem>>
      %dma_start3A_190 = arith.constant 0 : i32
      %dma_start3A_191 = tpu.memref_slice %arg15[%dma_start3A_190] : memref<100096xf32, #tpu.memory_space<vmem_shared>> -> memref<100096xf32, #tpu.memory_space<vmem_shared>>
      tpu.enqueue_indirect_dma source(%dma_start3A_189 : memref<16xf32, #tpu.memory_space<vmem>>) target(%dma_start3A_191 : memref<100096xf32, #tpu.memory_space<vmem_shared>>) offsets(%add3A_188 : vector<16xi32>) semaphore(%arg16 : memref<!tpu.dma_semaphore, #tpu.memory_space<semaphore_mem>>) {add = true}
      %add3A_192 = arith.constant 176 : i32
      %add3A_193 = arith.addi %add3A_114, %add3A_192 : i32
      %add3A_194 = vector.broadcast %add3A_193 : i32 to vector<16xi32>
      %add3A_195 = arith.addi %add3A_194, %iota3A : vector<16xi32>
      %dma_start3A_196 = tpu.memref_slice %arg14[%add3A_193] : memref<100096xf32, #tpu.memory_space<vmem>> -> memref<16xf32, #tpu.memory_space<vmem>>
      %dma_start3A_197 = arith.constant 0 : i32
      %dma_start3A_198 = tpu.memref_slice %arg15[%dma_start3A_197] : memref<100096xf32, #tpu.memory_space<vmem_shared>> -> memref<100096xf32, #tpu.memory_space<vmem_shared>>
      tpu.enqueue_indirect_dma source(%dma_start3A_196 : memref<16xf32, #tpu.memory_space<vmem>>) target(%dma_start3A_198 : memref<100096xf32, #tpu.memory_space<vmem_shared>>) offsets(%add3A_195 : vector<16xi32>) semaphore(%arg16 : memref<!tpu.dma_semaphore, #tpu.memory_space<semaphore_mem>>) {add = true}
      %add3A_199 = arith.constant 192 : i32
      %add3A_200 = arith.addi %add3A_114, %add3A_199 : i32
      %add3A_201 = vector.broadcast %add3A_200 : i32 to vector<16xi32>
      %add3A_202 = arith.addi %add3A_201, %iota3A : vector<16xi32>
      %dma_start3A_203 = tpu.memref_slice %arg14[%add3A_200] : memref<100096xf32, #tpu.memory_space<vmem>> -> memref<16xf32, #tpu.memory_space<vmem>>
      %dma_start3A_204 = arith.constant 0 : i32
      %dma_start3A_205 = tpu.memref_slice %arg15[%dma_start3A_204] : memref<100096xf32, #tpu.memory_space<vmem_shared>> -> memref<100096xf32, #tpu.memory_space<vmem_shared>>
      tpu.enqueue_indirect_dma source(%dma_start3A_203 : memref<16xf32, #tpu.memory_space<vmem>>) target(%dma_start3A_205 : memref<100096xf32, #tpu.memory_space<vmem_shared>>) offsets(%add3A_202 : vector<16xi32>) semaphore(%arg16 : memref<!tpu.dma_semaphore, #tpu.memory_space<semaphore_mem>>) {add = true}
      %add3A_206 = arith.constant 208 : i32
      %add3A_207 = arith.addi %add3A_114, %add3A_206 : i32
      %add3A_208 = vector.broadcast %add3A_207 : i32 to vector<16xi32>
      %add3A_209 = arith.addi %add3A_208, %iota3A : vector<16xi32>
      %dma_start3A_210 = tpu.memref_slice %arg14[%add3A_207] : memref<100096xf32, #tpu.memory_space<vmem>> -> memref<16xf32, #tpu.memory_space<vmem>>
      %dma_start3A_211 = arith.constant 0 : i32
      %dma_start3A_212 = tpu.memref_slice %arg15[%dma_start3A_211] : memref<100096xf32, #tpu.memory_space<vmem_shared>> -> memref<100096xf32, #tpu.memory_space<vmem_shared>>
      tpu.enqueue_indirect_dma source(%dma_start3A_210 : memref<16xf32, #tpu.memory_space<vmem>>) target(%dma_start3A_212 : memref<100096xf32, #tpu.memory_space<vmem_shared>>) offsets(%add3A_209 : vector<16xi32>) semaphore(%arg16 : memref<!tpu.dma_semaphore, #tpu.memory_space<semaphore_mem>>) {add = true}
      %add3A_213 = arith.constant 224 : i32
      %add3A_214 = arith.addi %add3A_114, %add3A_213 : i32
      %add3A_215 = vector.broadcast %add3A_214 : i32 to vector<16xi32>
      %add3A_216 = arith.addi %add3A_215, %iota3A : vector<16xi32>
      %dma_start3A_217 = tpu.memref_slice %arg14[%add3A_214] : memref<100096xf32, #tpu.memory_space<vmem>> -> memref<16xf32, #tpu.memory_space<vmem>>
      %dma_start3A_218 = arith.constant 0 : i32
      %dma_start3A_219 = tpu.memref_slice %arg15[%dma_start3A_218] : memref<100096xf32, #tpu.memory_space<vmem_shared>> -> memref<100096xf32, #tpu.memory_space<vmem_shared>>
      tpu.enqueue_indirect_dma source(%dma_start3A_217 : memref<16xf32, #tpu.memory_space<vmem>>) target(%dma_start3A_219 : memref<100096xf32, #tpu.memory_space<vmem_shared>>) offsets(%add3A_216 : vector<16xi32>) semaphore(%arg16 : memref<!tpu.dma_semaphore, #tpu.memory_space<semaphore_mem>>) {add = true}
      %add3A_220 = arith.constant 240 : i32
      %add3A_221 = arith.addi %add3A_114, %add3A_220 : i32
      %add3A_222 = vector.broadcast %add3A_221 : i32 to vector<16xi32>
      %add3A_223 = arith.addi %add3A_222, %iota3A : vector<16xi32>
      %dma_start3A_224 = tpu.memref_slice %arg14[%add3A_221] : memref<100096xf32, #tpu.memory_space<vmem>> -> memref<16xf32, #tpu.memory_space<vmem>>
      %dma_start3A_225 = arith.constant 0 : i32
      %dma_start3A_226 = tpu.memref_slice %arg15[%dma_start3A_225] : memref<100096xf32, #tpu.memory_space<vmem_shared>> -> memref<100096xf32, #tpu.memory_space<vmem_shared>>
      tpu.enqueue_indirect_dma source(%dma_start3A_224 : memref<16xf32, #tpu.memory_space<vmem>>) target(%dma_start3A_226 : memref<100096xf32, #tpu.memory_space<vmem_shared>>) offsets(%add3A_223 : vector<16xi32>) semaphore(%arg16 : memref<!tpu.dma_semaphore, #tpu.memory_space<semaphore_mem>>) {add = true}
      %add3A_227 = arith.constant 0 : i32
      %add3A_228 = arith.addi %add3A_114, %add3A_227 : i32
      %add3A_229 = vector.broadcast %add3A_228 : i32 to vector<16xi32>
      %add3A_230 = arith.addi %add3A_229, %iota3A : vector<16xi32>
      %dma_wait3A = tpu.memref_slice %arg14[%add3A_228] : memref<100096xf32, #tpu.memory_space<vmem>> -> memref<16xf32, #tpu.memory_space<vmem>>
      %dma_wait3A_231 = arith.constant 0 : i32
      %dma_wait3A_232 = tpu.memref_slice %arg15[%dma_wait3A_231] : memref<100096xf32, #tpu.memory_space<vmem_shared>> -> memref<100096xf32, #tpu.memory_space<vmem_shared>>
      tpu.wait_indirect_dma semaphore(%arg16 : memref<!tpu.dma_semaphore, #tpu.memory_space<semaphore_mem>>) src(%dma_wait3A : memref<16xf32, #tpu.memory_space<vmem>>) dst(%dma_wait3A_232 : memref<100096xf32, #tpu.memory_space<vmem_shared>>)
      %add3A_233 = arith.constant 16 : i32
      %add3A_234 = arith.addi %add3A_114, %add3A_233 : i32
      %add3A_235 = vector.broadcast %add3A_234 : i32 to vector<16xi32>
      %add3A_236 = arith.addi %add3A_235, %iota3A : vector<16xi32>
      %dma_wait3A_237 = tpu.memref_slice %arg14[%add3A_234] : memref<100096xf32, #tpu.memory_space<vmem>> -> memref<16xf32, #tpu.memory_space<vmem>>
      %dma_wait3A_238 = arith.constant 0 : i32
      %dma_wait3A_239 = tpu.memref_slice %arg15[%dma_wait3A_238] : memref<100096xf32, #tpu.memory_space<vmem_shared>> -> memref<100096xf32, #tpu.memory_space<vmem_shared>>
      tpu.wait_indirect_dma semaphore(%arg16 : memref<!tpu.dma_semaphore, #tpu.memory_space<semaphore_mem>>) src(%dma_wait3A_237 : memref<16xf32, #tpu.memory_space<vmem>>) dst(%dma_wait3A_239 : memref<100096xf32, #tpu.memory_space<vmem_shared>>)
      %add3A_240 = arith.constant 32 : i32
      %add3A_241 = arith.addi %add3A_114, %add3A_240 : i32
      %add3A_242 = vector.broadcast %add3A_241 : i32 to vector<16xi32>
      %add3A_243 = arith.addi %add3A_242, %iota3A : vector<16xi32>
      %dma_wait3A_244 = tpu.memref_slice %arg14[%add3A_241] : memref<100096xf32, #tpu.memory_space<vmem>> -> memref<16xf32, #tpu.memory_space<vmem>>
      %dma_wait3A_245 = arith.constant 0 : i32
      %dma_wait3A_246 = tpu.memref_slice %arg15[%dma_wait3A_245] : memref<100096xf32, #tpu.memory_space<vmem_shared>> -> memref<100096xf32, #tpu.memory_space<vmem_shared>>
      tpu.wait_indirect_dma semaphore(%arg16 : memref<!tpu.dma_semaphore, #tpu.memory_space<semaphore_mem>>) src(%dma_wait3A_244 : memref<16xf32, #tpu.memory_space<vmem>>) dst(%dma_wait3A_246 : memref<100096xf32, #tpu.memory_space<vmem_shared>>)
      %add3A_247 = arith.constant 48 : i32
      %add3A_248 = arith.addi %add3A_114, %add3A_247 : i32
      %add3A_249 = vector.broadcast %add3A_248 : i32 to vector<16xi32>
      %add3A_250 = arith.addi %add3A_249, %iota3A : vector<16xi32>
      %dma_wait3A_251 = tpu.memref_slice %arg14[%add3A_248] : memref<100096xf32, #tpu.memory_space<vmem>> -> memref<16xf32, #tpu.memory_space<vmem>>
      %dma_wait3A_252 = arith.constant 0 : i32
      %dma_wait3A_253 = tpu.memref_slice %arg15[%dma_wait3A_252] : memref<100096xf32, #tpu.memory_space<vmem_shared>> -> memref<100096xf32, #tpu.memory_space<vmem_shared>>
      tpu.wait_indirect_dma semaphore(%arg16 : memref<!tpu.dma_semaphore, #tpu.memory_space<semaphore_mem>>) src(%dma_wait3A_251 : memref<16xf32, #tpu.memory_space<vmem>>) dst(%dma_wait3A_253 : memref<100096xf32, #tpu.memory_space<vmem_shared>>)
      %add3A_254 = arith.constant 64 : i32
      %add3A_255 = arith.addi %add3A_114, %add3A_254 : i32
      %add3A_256 = vector.broadcast %add3A_255 : i32 to vector<16xi32>
      %add3A_257 = arith.addi %add3A_256, %iota3A : vector<16xi32>
      %dma_wait3A_258 = tpu.memref_slice %arg14[%add3A_255] : memref<100096xf32, #tpu.memory_space<vmem>> -> memref<16xf32, #tpu.memory_space<vmem>>
      %dma_wait3A_259 = arith.constant 0 : i32
      %dma_wait3A_260 = tpu.memref_slice %arg15[%dma_wait3A_259] : memref<100096xf32, #tpu.memory_space<vmem_shared>> -> memref<100096xf32, #tpu.memory_space<vmem_shared>>
      tpu.wait_indirect_dma semaphore(%arg16 : memref<!tpu.dma_semaphore, #tpu.memory_space<semaphore_mem>>) src(%dma_wait3A_258 : memref<16xf32, #tpu.memory_space<vmem>>) dst(%dma_wait3A_260 : memref<100096xf32, #tpu.memory_space<vmem_shared>>)
      %add3A_261 = arith.constant 80 : i32
      %add3A_262 = arith.addi %add3A_114, %add3A_261 : i32
      %add3A_263 = vector.broadcast %add3A_262 : i32 to vector<16xi32>
      %add3A_264 = arith.addi %add3A_263, %iota3A : vector<16xi32>
      %dma_wait3A_265 = tpu.memref_slice %arg14[%add3A_262] : memref<100096xf32, #tpu.memory_space<vmem>> -> memref<16xf32, #tpu.memory_space<vmem>>
      %dma_wait3A_266 = arith.constant 0 : i32
      %dma_wait3A_267 = tpu.memref_slice %arg15[%dma_wait3A_266] : memref<100096xf32, #tpu.memory_space<vmem_shared>> -> memref<100096xf32, #tpu.memory_space<vmem_shared>>
      tpu.wait_indirect_dma semaphore(%arg16 : memref<!tpu.dma_semaphore, #tpu.memory_space<semaphore_mem>>) src(%dma_wait3A_265 : memref<16xf32, #tpu.memory_space<vmem>>) dst(%dma_wait3A_267 : memref<100096xf32, #tpu.memory_space<vmem_shared>>)
      %add3A_268 = arith.constant 96 : i32
      %add3A_269 = arith.addi %add3A_114, %add3A_268 : i32
      %add3A_270 = vector.broadcast %add3A_269 : i32 to vector<16xi32>
      %add3A_271 = arith.addi %add3A_270, %iota3A : vector<16xi32>
      %dma_wait3A_272 = tpu.memref_slice %arg14[%add3A_269] : memref<100096xf32, #tpu.memory_space<vmem>> -> memref<16xf32, #tpu.memory_space<vmem>>
      %dma_wait3A_273 = arith.constant 0 : i32
      %dma_wait3A_274 = tpu.memref_slice %arg15[%dma_wait3A_273] : memref<100096xf32, #tpu.memory_space<vmem_shared>> -> memref<100096xf32, #tpu.memory_space<vmem_shared>>
      tpu.wait_indirect_dma semaphore(%arg16 : memref<!tpu.dma_semaphore, #tpu.memory_space<semaphore_mem>>) src(%dma_wait3A_272 : memref<16xf32, #tpu.memory_space<vmem>>) dst(%dma_wait3A_274 : memref<100096xf32, #tpu.memory_space<vmem_shared>>)
      %add3A_275 = arith.constant 112 : i32
      %add3A_276 = arith.addi %add3A_114, %add3A_275 : i32
      %add3A_277 = vector.broadcast %add3A_276 : i32 to vector<16xi32>
      %add3A_278 = arith.addi %add3A_277, %iota3A : vector<16xi32>
      %dma_wait3A_279 = tpu.memref_slice %arg14[%add3A_276] : memref<100096xf32, #tpu.memory_space<vmem>> -> memref<16xf32, #tpu.memory_space<vmem>>
      %dma_wait3A_280 = arith.constant 0 : i32
      %dma_wait3A_281 = tpu.memref_slice %arg15[%dma_wait3A_280] : memref<100096xf32, #tpu.memory_space<vmem_shared>> -> memref<100096xf32, #tpu.memory_space<vmem_shared>>
      tpu.wait_indirect_dma semaphore(%arg16 : memref<!tpu.dma_semaphore, #tpu.memory_space<semaphore_mem>>) src(%dma_wait3A_279 : memref<16xf32, #tpu.memory_space<vmem>>) dst(%dma_wait3A_281 : memref<100096xf32, #tpu.memory_space<vmem_shared>>)
      %add3A_282 = arith.constant 128 : i32
      %add3A_283 = arith.addi %add3A_114, %add3A_282 : i32
      %add3A_284 = vector.broadcast %add3A_283 : i32 to vector<16xi32>
      %add3A_285 = arith.addi %add3A_284, %iota3A : vector<16xi32>
      %dma_wait3A_286 = tpu.memref_slice %arg14[%add3A_283] : memref<100096xf32, #tpu.memory_space<vmem>> -> memref<16xf32, #tpu.memory_space<vmem>>
      %dma_wait3A_287 = arith.constant 0 : i32
      %dma_wait3A_288 = tpu.memref_slice %arg15[%dma_wait3A_287] : memref<100096xf32, #tpu.memory_space<vmem_shared>> -> memref<100096xf32, #tpu.memory_space<vmem_shared>>
      tpu.wait_indirect_dma semaphore(%arg16 : memref<!tpu.dma_semaphore, #tpu.memory_space<semaphore_mem>>) src(%dma_wait3A_286 : memref<16xf32, #tpu.memory_space<vmem>>) dst(%dma_wait3A_288 : memref<100096xf32, #tpu.memory_space<vmem_shared>>)
      %add3A_289 = arith.constant 144 : i32
      %add3A_290 = arith.addi %add3A_114, %add3A_289 : i32
      %add3A_291 = vector.broadcast %add3A_290 : i32 to vector<16xi32>
      %add3A_292 = arith.addi %add3A_291, %iota3A : vector<16xi32>
      %dma_wait3A_293 = tpu.memref_slice %arg14[%add3A_290] : memref<100096xf32, #tpu.memory_space<vmem>> -> memref<16xf32, #tpu.memory_space<vmem>>
      %dma_wait3A_294 = arith.constant 0 : i32
      %dma_wait3A_295 = tpu.memref_slice %arg15[%dma_wait3A_294] : memref<100096xf32, #tpu.memory_space<vmem_shared>> -> memref<100096xf32, #tpu.memory_space<vmem_shared>>
      tpu.wait_indirect_dma semaphore(%arg16 : memref<!tpu.dma_semaphore, #tpu.memory_space<semaphore_mem>>) src(%dma_wait3A_293 : memref<16xf32, #tpu.memory_space<vmem>>) dst(%dma_wait3A_295 : memref<100096xf32, #tpu.memory_space<vmem_shared>>)
      %add3A_296 = arith.constant 160 : i32
      %add3A_297 = arith.addi %add3A_114, %add3A_296 : i32
      %add3A_298 = vector.broadcast %add3A_297 : i32 to vector<16xi32>
      %add3A_299 = arith.addi %add3A_298, %iota3A : vector<16xi32>
      %dma_wait3A_300 = tpu.memref_slice %arg14[%add3A_297] : memref<100096xf32, #tpu.memory_space<vmem>> -> memref<16xf32, #tpu.memory_space<vmem>>
      %dma_wait3A_301 = arith.constant 0 : i32
      %dma_wait3A_302 = tpu.memref_slice %arg15[%dma_wait3A_301] : memref<100096xf32, #tpu.memory_space<vmem_shared>> -> memref<100096xf32, #tpu.memory_space<vmem_shared>>
      tpu.wait_indirect_dma semaphore(%arg16 : memref<!tpu.dma_semaphore, #tpu.memory_space<semaphore_mem>>) src(%dma_wait3A_300 : memref<16xf32, #tpu.memory_space<vmem>>) dst(%dma_wait3A_302 : memref<100096xf32, #tpu.memory_space<vmem_shared>>)
      %add3A_303 = arith.constant 176 : i32
      %add3A_304 = arith.addi %add3A_114, %add3A_303 : i32
      %add3A_305 = vector.broadcast %add3A_304 : i32 to vector<16xi32>
      %add3A_306 = arith.addi %add3A_305, %iota3A : vector<16xi32>
      %dma_wait3A_307 = tpu.memref_slice %arg14[%add3A_304] : memref<100096xf32, #tpu.memory_space<vmem>> -> memref<16xf32, #tpu.memory_space<vmem>>
      %dma_wait3A_308 = arith.constant 0 : i32
      %dma_wait3A_309 = tpu.memref_slice %arg15[%dma_wait3A_308] : memref<100096xf32, #tpu.memory_space<vmem_shared>> -> memref<100096xf32, #tpu.memory_space<vmem_shared>>
      tpu.wait_indirect_dma semaphore(%arg16 : memref<!tpu.dma_semaphore, #tpu.memory_space<semaphore_mem>>) src(%dma_wait3A_307 : memref<16xf32, #tpu.memory_space<vmem>>) dst(%dma_wait3A_309 : memref<100096xf32, #tpu.memory_space<vmem_shared>>)
      %add3A_310 = arith.constant 192 : i32
      %add3A_311 = arith.addi %add3A_114, %add3A_310 : i32
      %add3A_312 = vector.broadcast %add3A_311 : i32 to vector<16xi32>
      %add3A_313 = arith.addi %add3A_312, %iota3A : vector<16xi32>
      %dma_wait3A_314 = tpu.memref_slice %arg14[%add3A_311] : memref<100096xf32, #tpu.memory_space<vmem>> -> memref<16xf32, #tpu.memory_space<vmem>>
      %dma_wait3A_315 = arith.constant 0 : i32
      %dma_wait3A_316 = tpu.memref_slice %arg15[%dma_wait3A_315] : memref<100096xf32, #tpu.memory_space<vmem_shared>> -> memref<100096xf32, #tpu.memory_space<vmem_shared>>
      tpu.wait_indirect_dma semaphore(%arg16 : memref<!tpu.dma_semaphore, #tpu.memory_space<semaphore_mem>>) src(%dma_wait3A_314 : memref<16xf32, #tpu.memory_space<vmem>>) dst(%dma_wait3A_316 : memref<100096xf32, #tpu.memory_space<vmem_shared>>)
      %add3A_317 = arith.constant 208 : i32
      %add3A_318 = arith.addi %add3A_114, %add3A_317 : i32
      %add3A_319 = vector.broadcast %add3A_318 : i32 to vector<16xi32>
      %add3A_320 = arith.addi %add3A_319, %iota3A : vector<16xi32>
      %dma_wait3A_321 = tpu.memref_slice %arg14[%add3A_318] : memref<100096xf32, #tpu.memory_space<vmem>> -> memref<16xf32, #tpu.memory_space<vmem>>
      %dma_wait3A_322 = arith.constant 0 : i32
      %dma_wait3A_323 = tpu.memref_slice %arg15[%dma_wait3A_322] : memref<100096xf32, #tpu.memory_space<vmem_shared>> -> memref<100096xf32, #tpu.memory_space<vmem_shared>>
      tpu.wait_indirect_dma semaphore(%arg16 : memref<!tpu.dma_semaphore, #tpu.memory_space<semaphore_mem>>) src(%dma_wait3A_321 : memref<16xf32, #tpu.memory_space<vmem>>) dst(%dma_wait3A_323 : memref<100096xf32, #tpu.memory_space<vmem_shared>>)
      %add3A_324 = arith.constant 224 : i32
      %add3A_325 = arith.addi %add3A_114, %add3A_324 : i32
      %add3A_326 = vector.broadcast %add3A_325 : i32 to vector<16xi32>
      %add3A_327 = arith.addi %add3A_326, %iota3A : vector<16xi32>
      %dma_wait3A_328 = tpu.memref_slice %arg14[%add3A_325] : memref<100096xf32, #tpu.memory_space<vmem>> -> memref<16xf32, #tpu.memory_space<vmem>>
      %dma_wait3A_329 = arith.constant 0 : i32
      %dma_wait3A_330 = tpu.memref_slice %arg15[%dma_wait3A_329] : memref<100096xf32, #tpu.memory_space<vmem_shared>> -> memref<100096xf32, #tpu.memory_space<vmem_shared>>
      tpu.wait_indirect_dma semaphore(%arg16 : memref<!tpu.dma_semaphore, #tpu.memory_space<semaphore_mem>>) src(%dma_wait3A_328 : memref<16xf32, #tpu.memory_space<vmem>>) dst(%dma_wait3A_330 : memref<100096xf32, #tpu.memory_space<vmem_shared>>)
      %add3A_331 = arith.constant 240 : i32
      %add3A_332 = arith.addi %add3A_114, %add3A_331 : i32
      %add3A_333 = vector.broadcast %add3A_332 : i32 to vector<16xi32>
      %add3A_334 = arith.addi %add3A_333, %iota3A : vector<16xi32>
      %dma_wait3A_335 = tpu.memref_slice %arg14[%add3A_332] : memref<100096xf32, #tpu.memory_space<vmem>> -> memref<16xf32, #tpu.memory_space<vmem>>
      %dma_wait3A_336 = arith.constant 0 : i32
      %dma_wait3A_337 = tpu.memref_slice %arg15[%dma_wait3A_336] : memref<100096xf32, #tpu.memory_space<vmem_shared>> -> memref<100096xf32, #tpu.memory_space<vmem_shared>>
      tpu.wait_indirect_dma semaphore(%arg16 : memref<!tpu.dma_semaphore, #tpu.memory_space<semaphore_mem>>) src(%dma_wait3A_335 : memref<16xf32, #tpu.memory_space<vmem>>) dst(%dma_wait3A_337 : memref<100096xf32, #tpu.memory_space<vmem_shared>>)
      %while3A_338 = arith.constant 0 : i32
      scf.yield %while3A_338 : i32
    }
    %barrier3A_104 = arith.constant 0 : index
    tpu.barrier barrier_id(%barrier3A_104)
    %mul3A_105 = arith.constant 6256 : i32
    %mul3A_106 = arith.muli %arg1, %mul3A_105 : i32
    "tpu.region"() ({
      %run_scoped3A = tpu.sem_alloc : memref<!tpu.dma_semaphore, #tpu.memory_space<semaphore_mem>>
      %dma_start3A_110 = arith.constant 0 : i32
      %dma_start3A_111 = tpu.memref_slice %arg14[%dma_start3A_110] : memref<100096xf32, #tpu.memory_space<vmem>> -> memref<6256xf32, #tpu.memory_space<vmem>>
      %dma_start3A_112 = tpu.memref_slice %arg15[%mul3A_106] : memref<100096xf32, #tpu.memory_space<vmem_shared>> -> memref<6256xf32, #tpu.memory_space<vmem_shared>>
      %dma_start3A_113 = arith.constant 0 : i32
      %dma_start3A_114 = tpu.memref_slice %arg14[%dma_start3A_113] : memref<100096xf32, #tpu.memory_space<vmem>> -> memref<6256xf32, #tpu.memory_space<vmem>>
      %dma_start3A_115 = tpu.memref_slice %arg15[%mul3A_106] : memref<100096xf32, #tpu.memory_space<vmem_shared>> -> memref<6256xf32, #tpu.memory_space<vmem_shared>>
      tpu.enqueue_dma source(%dma_start3A_115 : memref<6256xf32, #tpu.memory_space<vmem_shared>>) target(%dma_start3A_114 : memref<6256xf32, #tpu.memory_space<vmem>>) target_semaphore(%run_scoped3A : memref<!tpu.dma_semaphore, #tpu.memory_space<semaphore_mem>>)
      %dma_wait3A = arith.constant 0 : i32
      %dma_wait3A_116 = tpu.memref_slice %arg14[%dma_wait3A] : memref<100096xf32, #tpu.memory_space<vmem>> -> memref<6256xf32, #tpu.memory_space<vmem>>
      %dma_wait3A_117 = tpu.memref_slice %arg15[%mul3A_106] : memref<100096xf32, #tpu.memory_space<vmem_shared>> -> memref<6256xf32, #tpu.memory_space<vmem_shared>>
      %dma_wait3A_118 = arith.constant 0 : i32
      %dma_wait3A_119 = tpu.memref_slice %arg14[%dma_wait3A_118] : memref<100096xf32, #tpu.memory_space<vmem>> -> memref<6256xf32, #tpu.memory_space<vmem>>
      %dma_wait3A_120 = tpu.memref_slice %arg15[%mul3A_106] : memref<100096xf32, #tpu.memory_space<vmem_shared>> -> memref<6256xf32, #tpu.memory_space<vmem_shared>>
      tpu.wait_dma2 semaphore(%run_scoped3A : memref<!tpu.dma_semaphore, #tpu.memory_space<semaphore_mem>>) src(%dma_wait3A_120 : memref<6256xf32, #tpu.memory_space<vmem_shared>>) dst(%dma_wait3A_119 : memref<6256xf32, #tpu.memory_space<vmem>>)
      tpu.yield
    }) : () -> ()
    %mul3A_107 = arith.constant 100096 : i32
    %mul3A_108 = arith.muli %arg0, %mul3A_107 : i32
    %add3A_109 = arith.addi %mul3A_108, %mul3A_106 : i32
    "tpu.region"() ({
      %run_scoped3A = tpu.sem_alloc : memref<!tpu.dma_semaphore, #tpu.memory_space<semaphore_mem>>
      %dma_start3A_110 = arith.constant 0 : i32
      %dma_start3A_111 = tpu.memref_slice %arg14[%dma_start3A_110] : memref<100096xf32, #tpu.memory_space<vmem>> -> memref<6256xf32, #tpu.memory_space<vmem>>
      %dma_start3A_112 = tpu.memref_slice %arg6[%add3A_109] : memref<200192xf32, #tpu.memory_space<hbm>> -> memref<6256xf32, #tpu.memory_space<hbm>>
      %dma_start3A_113 = tpu.memref_slice %arg6[%add3A_109] : memref<200192xf32, #tpu.memory_space<hbm>> -> memref<6256xf32, #tpu.memory_space<hbm>>
      %dma_start3A_114 = arith.constant 0 : i32
      %dma_start3A_115 = tpu.memref_slice %arg14[%dma_start3A_114] : memref<100096xf32, #tpu.memory_space<vmem>> -> memref<6256xf32, #tpu.memory_space<vmem>>
      tpu.enqueue_dma source(%dma_start3A_115 : memref<6256xf32, #tpu.memory_space<vmem>>) target(%dma_start3A_113 : memref<6256xf32, #tpu.memory_space<hbm>>) target_semaphore(%run_scoped3A : memref<!tpu.dma_semaphore, #tpu.memory_space<semaphore_mem>>)
      %dma_wait3A = arith.constant 0 : i32
      %dma_wait3A_116 = tpu.memref_slice %arg14[%dma_wait3A] : memref<100096xf32, #tpu.memory_space<vmem>> -> memref<6256xf32, #tpu.memory_space<vmem>>
      %dma_wait3A_117 = tpu.memref_slice %arg6[%add3A_109] : memref<200192xf32, #tpu.memory_space<hbm>> -> memref<6256xf32, #tpu.memory_space<hbm>>
      %dma_wait3A_118 = tpu.memref_slice %arg6[%add3A_109] : memref<200192xf32, #tpu.memory_space<hbm>> -> memref<6256xf32, #tpu.memory_space<hbm>>
      %dma_wait3A_119 = arith.constant 0 : i32
      %dma_wait3A_120 = tpu.memref_slice %arg14[%dma_wait3A_119] : memref<100096xf32, #tpu.memory_space<vmem>> -> memref<6256xf32, #tpu.memory_space<vmem>>
      tpu.wait_dma2 semaphore(%run_scoped3A : memref<!tpu.dma_semaphore, #tpu.memory_space<semaphore_mem>>) src(%dma_wait3A_120 : memref<6256xf32, #tpu.memory_space<vmem>>) dst(%dma_wait3A_118 : memref<6256xf32, #tpu.memory_space<hbm>>)
      tpu.yield
    }) : () -> ()
    return
  }
}

module attributes {stable_mosaic.version = 14 : i64} {
  func.func @_combine_body(%arg0: memref<2x782x128xf32, #tpu.memory_space<vmem>>, %arg1: memref<782x128xf32, #tpu.memory_space<vmem>>) attributes {dimension_semantics = [], scalar_prefetch = 0 : i64, scratch_operands = 0 : i64, tpu.core_type = #tpu.core_type<tc>} {
    %get3A = arith.constant 0 : index
    %get3A_0 = arith.constant 0 : index
    %get3A_1 = arith.constant 0 : index
    %get3A_2 = vector.load %arg0[%get3A, %get3A_0, %get3A_1] : memref<2x782x128xf32, #tpu.memory_space<vmem>>, vector<1x782x128xf32>
    %get3A_3 = vector.shape_cast %get3A_2 : vector<1x782x128xf32> to vector<782x128xf32>
    %get3A_4 = arith.constant 1 : index
    %get3A_5 = arith.constant 0 : index
    %get3A_6 = arith.constant 0 : index
    %get3A_7 = vector.load %arg0[%get3A_4, %get3A_5, %get3A_6] : memref<2x782x128xf32, #tpu.memory_space<vmem>>, vector<1x782x128xf32>
    %get3A_8 = vector.shape_cast %get3A_7 : vector<1x782x128xf32> to vector<782x128xf32>
    %add3A = arith.addf %get3A_3, %get3A_8 : vector<782x128xf32>
    %swap3A = arith.constant 0 : index
    %swap3A_9 = arith.constant 0 : index
    %swap3A_10 = vector.load %arg1[%swap3A, %swap3A_9] : memref<782x128xf32, #tpu.memory_space<vmem>>, vector<782x128xf32>
    tpu.vector_store %arg1[%swap3A, %swap3A_9], %add3A {strides = array<i32>} : memref<782x128xf32, #tpu.memory_space<vmem>>, vector<782x128xf32>,
    return
  }
}

</mosaic_0001>

<sc_bundles>
// kernel: kernel.4.cloned.1.call-start
scs
__scs_entry_jumppad:
0x0: {  	(pc) =	sbr.rel $0x88, $3  }
0x1: {  	(tag) =	ssettag $0x0;
	lr =	simm.s32 $0x1  }
0x2: {  	[smem:$0x3F9E] =	sst lr;
	_ =	strace $0xD0000000  }
0x3: {  	_ = 	snop  }
0x4: {  	_ = 	snop  }
0x5: {  	_ = 	snop  }
0x6: {  	_ = 	snop  }
0x7: {  	_ = 	snop  }
__scs_overlays_trampoline_lowered:
0x8: {  	[smem:$0x3FAD] =	sst s0  }
0x9: {  	[smem:$0x3FAE] =	sst s1  }
0xa: {  	[smem:$0x3FAF] =	sst s2  }
0xb: {  	[smem:$0x3FB0] =	sst s3  }
0xc: {  	[smem:$0x3FB1] =	sst s4  }
0xd: {  	[smem:$0x3FB2] =	sst s5  }
0xe: {  	[smem:$0x3FB3] =	sst s6  }
0xf: {  	[smem:$0x3FB4] =	sst s7  }
0x10: {  	[smem:$0x3FB5] =	sst s8  }
0x11: {  	[smem:$0x3FB6] =	sst s9;
	s0 =	simm.s32 @!p0 $0x0  }
0x12: {  	s1 =	sld [smem:$0x3F9C];
	s0 =	simm.s32 @p0 $0x1  }
0x13: {  	[smem:$0x3FB7] =	sst s0;
	s0 =	simm.s32 @!p1 $0x0  }
0x14: {  	s2 =	sld [smem:$0x3F9B];
	s0 =	simm.s32 @p1 $0x1  }
0x15: {  	[smem:$0x3FB8] =	sst s0;
	s0 =	simm.s32 @!p2 $0x0  }
0x16: {  	s3 =	sld [smem:$0x3FDB];
	s0 =	simm.s32 @p2 $0x1  }
0x17: {  	s4 =	simm.s32 $0x1BF5;
	[smem:$0x3FBA] =	sst s0  }
0x18: {  	s0 =	sld [smem:$0x3F9D];
	_ =	swait.ge [sflag:s4], $0x0  }
0x19: {  	s7 =	sld [smem:$0x3F9E]  }
0x1a: {  	s8 =	sadd.s32 $0xFFFFE003, lr  }
0x1b: {  	s9 =	sadd.s32 $0xFFFFFEF7, lr;
	s5 =	simm.s32 $0xFFFFFFFF;
	p2 =	slt.u32 s8, $0xFFFFF086  }
0x1c: {  	p1 =	slt.u32 s9, $0xF7A;
	s5 =	simm.s32 @!p2 $0x0  }
0x1d: {  	s5 =	simm.s32 @p1 $0x1;
	p0 =	seq.s32 s7, s2  }
0x1e: {  	s7 =	smul.u32 @!p0 $0xF7A, s2;
	p2 =	seq.s32 @!p0 s5, $0x0  }
0x1f: {  	s9 =	smul.u32 $0xF7A, s1;
	s8 =	simm.s32 @!p0 $0x1BF5;
	p2 =	por !p2, p0  }
0x20: {  	[sflag:s8] =	ssyncset.s32 @!p0 $0xFFFFF086;
	s6 =	sadd.s32 @!p0 s3, s7;
	s7 =	simm.s32 @!p0 $0x108  }
0x21: {  	s3 =	sadd.s32 s3, s9;
	s6 =	sadd.s32 @!p0 $0x88, s6;
	s7 =	simm.s32 @p2 $0x1082  }
0x22: {  	[simem:s7], [sflag:s8] =	dma.local @!p0 [hbm:s6], $0xF7A  }
0x23: {  	s9 =	sor.u32 $0xD0000000, s2;
	s6 =	simm.s32 $0x108;
	_ =	swait.ge @!p0 [sflag:s8], $0x0  }
0x24: {  	s3 =	sadd.s32 $0x88, s3;
	s6 =	simm.s32 @!p1 $0x1082;
	[sflag:s4] =	ssyncset.s32 $0xFFFFF086  }
0x25: {  	[simem:s6], [sflag:s4] =	dma.local [hbm:s3], $0xF7A  }
0x26: {  	[smem:$0x3F9E] =	sst s1;
	(tag) =	ssettag s2;
	_ =	strace s9  }
0x27: {  	s1 =	sld [smem:$0x3FAE]  }
0x28: {  	s2 =	sld [smem:$0x3FAF]  }
0x29: {  	s4 =	sld [smem:$0x3FB1]  }
0x2a: {  	p0 =	seq.s32 s5, $0x0;
	s5 =	sld [smem:$0x3FB2]  }
0x2b: {  	s6 =	sld [smem:$0x3FB3]  }
0x2c: {  	s7 =	sld [smem:$0x3FB4]  }
0x2d: {  	s3 =	simm.s32 $0x108;
	s8 =	sld [smem:$0x3FB5]  }
0x2e: {  	s3 =	simm.s32 @!p0 $0x1082;
	s9 =	sld [smem:$0x3FB6]  }
0x2f: {  	lr =	sadd.s32 s0, s3;
	s0 =	sld [smem:$0x3FAD]  }
0x30: {  	s3 =	sld [smem:$0x3FB0]  }
0x31: {  	[smem:$0x3FB9] =	sst s10  }
0x32: {  	s10 =	sld [smem:$0x3FB7];
	_ =	sdelay $0x3  }
0x33: {  	p0 =	seq.s32 s10, $0x1;
	s10 =	sld [smem:$0x3FB9];
	_ =	sdelay $0x3  }
0x34: {  	[smem:$0x3FB9] =	sst s10  }
0x35: {  	s10 =	sld [smem:$0x3FB8];
	_ =	sdelay $0x3  }
0x36: {  	p1 =	seq.s32 s10, $0x1;
	s10 =	sld [smem:$0x3FB9];
	_ =	sdelay $0x3  }
0x37: {  	[smem:$0x3FB9] =	sst s10  }
0x38: {  	s10 =	sld [smem:$0x3FBA]  }
0x39: {  	_ = 	snop;
	(pc) =	sbr.ind lr, $3  }
0x3a: {  	_ = 	snop  }
0x3b: {  	_ = 	snop  }
0x3c: {  	p2 =	seq.s32 s10, $0x1;
	s10 =	sld [smem:$0x3FB9]  }
0x3d: {  	_ =	shalt  }
0x3e: {  	_ =	shalt  }
0x3f: {  	_ =	shalt  }
0x40: {  	_ =	shalt  }
0x41: {  	_ =	shalt  }
0x42: {  	_ =	shalt  }
0x43: {  	_ =	shalt  }
0x44: {  	_ =	shalt  }
0x45: {  	_ =	shalt  }
0x46: {  	_ =	shalt  }
0x47: {  	_ =	shalt  }
0x48: {  	_ =	shalt  }
0x49: {  	_ =	shalt  }
0x4a: {  	_ =	shalt  }
0x4b: {  	_ =	shalt  }
0x4c: {  	_ =	shalt  }
0x4d: {  	_ =	shalt  }
0x4e: {  	_ =	shalt  }
0x4f: {  	_ =	shalt  }
0x50: {  	_ =	shalt  }
0x51: {  	_ =	shalt  }
0x52: {  	_ =	shalt  }
0x53: {  	_ =	shalt  }
0x54: {  	_ =	shalt  }
0x55: {  	_ =	shalt  }
0x56: {  	_ =	shalt  }
0x57: {  	_ =	shalt  }
0x58: {  	_ =	shalt  }
0x59: {  	_ =	shalt  }
0x5a: {  	_ =	shalt  }
0x5b: {  	_ =	shalt  }
0x5c: {  	_ =	shalt  }
0x5d: {  	_ =	shalt  }
0x5e: {  	_ =	shalt  }
0x5f: {  	_ =	shalt  }
0x60: {  	_ =	shalt  }
0x61: {  	_ =	shalt  }
0x62: {  	_ =	shalt  }
0x63: {  	_ =	shalt  }
0x64: {  	_ =	shalt  }
0x65: {  	_ =	shalt  }
0x66: {  	_ =	shalt  }
0x67: {  	_ =	shalt  }
0x68: {  	_ =	shalt  }
0x69: {  	_ =	shalt  }
0x6a: {  	_ =	shalt  }
0x6b: {  	_ =	shalt  }
0x6c: {  	_ =	shalt  }
0x6d: {  	_ =	shalt  }
0x6e: {  	_ =	shalt  }
0x6f: {  	_ =	shalt  }
0x70: {  	_ =	shalt  }
0x71: {  	_ =	shalt  }
0x72: {  	_ =	shalt  }
0x73: {  	_ =	shalt  }
0x74: {  	_ =	shalt  }
0x75: {  	_ =	shalt  }
0x76: {  	_ =	shalt  }
0x77: {  	_ =	shalt  }
0x78: {  	_ =	shalt  }
0x79: {  	_ =	shalt  }
0x7a: {  	_ =	shalt  }
0x7b: {  	_ =	shalt  }
0x7c: {  	_ =	shalt  }
0x7d: {  	_ =	shalt  }
0x7e: {  	_ =	shalt  }
0x7f: {  	_ =	shalt  }
0x80: {  	_ =	shalt  }
0x81: {  	_ =	shalt  }
0x82: {  	_ =	shalt  }
0x83: {  	_ =	shalt  }
0x84: {  	_ =	shalt  }
0x85: {  	_ =	shalt  }
0x86: {  	_ =	shalt  }
0x87: {  	_ =	shalt  }
.Lfunc_end0:
.L_simem_size_0:
called_computation_lowered:
.L_overlay_start_0:
0x88: {  	s2 =	sld [smem:$0x3FD9]  }
0x89: {  	s3 =	sld [smem:$0x3FFE];
	_ =	sdelay $0x1  }
0x8a: {  	s1 =	srdreg.scid  }
0x8b: {  	s0 =	sand.u32 $0x1, s1  }
0x8c: {  	s14 =	sshll.u32 s0, $0xA;
	s2 =	sadd.s32 s3, s2  }
0x8d: {  	s2 =	sadd.s32 s2, s14  }
0x8e: {  	[smem:$0x3FC5] =	sst s2  }
0x8f: {  	_ = 	snop  }
0x90: {  	s2 =	sld [smem:$0x3FD0]  }
0x91: {  	s15 =	sld [smem:$0x3FC9]  }
0x92: {  	s4 =	sld [smem:$0x3FC8]  }
0x93: {  	s6 =	simm.s32 $0xA;
	s7 =	simm.s32 $0x10;
	s5 =	sld [smem:$0x3FC7]  }
0x94: {  	[smem:s7], [sflag:s6] =	dma.local [hbm:s2], $0x1  }
0x95: {  	_ =	swait.eq [sflag:s6], $0x1  }
0x96: {  	[sflag:s6] =	ssyncset.done $0x0  }
0x97: {  	[sflag:s6] =	ssyncadd.s32 $0xFFFFFFFF  }
0x98: {  	s16 =	sld [smem:$0x10];
	(tm) =	ssettm $0x1  }
0x99: {  	s17 =	sld [smem:$0x3FFB];
	_ =	sdelay $0x3  }
0x9a: {  	_ =	strace s17  }
0x9b: {  	s6 =	sld [smem:$0x3FFC];
	_ =	sdelay $0x3  }
0x9c: {  	_ =	strace s6  }
0x9d: {  	s6 =	sld [smem:$0x3FFD];
	_ =	sdelay $0x3  }
0x9e: {  	_ =	strace s6  }
0x9f: {  	_ =	strace $0x8FFFFFFF  }
0xa0: {  	s18 =	sld [smem:$0x3FDB];
	_ =	sdelay $0x1  }
0xa1: {  	s19 =	simm.s32 $_scs_section_size  }
0xa2: {  	s8 =	simm.s32 $_size__tile_overlayer_lowered;
	s9 =	simm.s32 $_tile_overlayer_lowered  }
0xa3: {  	s22 =	simm.s32 $0x1BFF;
	s21 =	sshll.u32 s9, $0x1;
	s6 =	sadd.s32 s19, s18  }
0xa4: {  	s10 =	simm.s32 $0x0;
	s20 =	sshll.u32 s8, $0x1;
	s8 =	sadd.s32 s21, s6  }
0xa5: {  	[timem:s10], [sflag:s22] =	dma.local [hbm:s8], s20  }
0xa6: {  	_ =	swait.ge [sflag:s22], s20  }
0xa7: {  	s7 =	ssub.s32 $0x0, s20;
	[sflag:s22] =	ssyncset.done $0x0  }
0xa8: {  	[sflag:s22] =	ssyncadd.s32 s7;
	_ =	sdelay $0x1  }
0xa9: {  	s23 =	simm.s32 $0x1B8B  }
0xaa: {  	_ =	swait.ge [sflag:s23], $0x1  }
0xab: {  	[sflag:s23] =	ssyncset.done $0x0  }
0xac: {  	s25 =	simm.s32 $0x1B8E;
	s24 =	sld [smem:$0x3FFE];
	[sflag:s23] =	ssyncadd.s32 $0xFFFFFFFF  }
0xad: {  	s26 =	simm.s32 $execute0_lowered;
	[smem:$0x3FD2] =	sst s25  }
0xae: {  	s8 =	sshll.u32 s26, $0x1;
	_ =	strace $0x80000046;
	[dreg:$0x1] =	wrdreg $0xFFFFFFFF  }
0xaf: {  	s28 =	simm.s32 $_size_execute0_lowered;
	s6 =	sadd.s32 s6, s8;
	[dreg:$0x0] =	wrdreg $0x0  }
0xb0: {  	s8 =	sshll.u32 s28, $0x1;
	[dreg:$0x2] =	wrdreg s6  }
0xb1: {  	[dreg:$0x3] =	wrdreg s8  }
0xb2: {  	[dreg:$0x4] =	wrdreg $0xC0  }
0xb3: {  	_ =	task [dreg:s10], $0x5FFFF  }
0xb4: {  	[dreg:$0x1] =	wrdreg $0xFFFFFFFF  }
0xb5: {  	[dreg:$0x0] =	wrdreg $0x60  }
0xb6: {  	[dreg:$0x2] =	wrdreg s15  }
0xb7: {  	[dreg:$0x3] =	wrdreg s4  }
0xb8: {  	[dreg:$0x4] =	wrdreg s5  }
0xb9: {  	[dreg:$0x5] =	wrdreg s16  }
0xba: {  	[dreg:$0x6] =	wrdreg s24  }
0xbb: {  	[dreg:$0x7] =	wrdreg $0x1E7800  }
0xbc: {  	[dreg:$0x8] =	wrdreg $0x9  }
0xbd: {  	_ =	task.clear_ibuf [dreg:s10], $0x9FFFF;
	_ =	strace $0x90000046  }
0xbe: {  	s29 =	simm.s32 $0x9;
	_ =	strace $0x80000048  }
0xbf: {  	_ =	swait.ge [sflag:s29], $0x1  }
0xc0: {  	[sflag:s29] =	ssyncadd.s32 $0xFFFFFFFF  }
0xc1: {  	_ =	strace $0x90000048  }
0xc2: {  	_ =	sfence  }
0xc3: {  	s30 =	sld [smem:$0x0];
	_ =	sdelay $0x2  }
0xc4: {  	s31 =	sshll.u32 s1, $0xD;
	s1 =	sshrl.u32 s1, $0x2  }
0xc5: {  	s3 =	sand.u32 $0x4000, s31;
	s1 =	sadd.s32 s1, s30  }
0xc6: {  	s0 =	sor.u32 s3, s0;
	s1 =	sshll.u32 s1, $0x11  }
0xc7: {  	s0 =	sor.u32 s1, s0  }
0xc8: {  	s0 =	sadd.s32 $0x8F2B, s0  }
0xc9: {  	[sflag:s0] =	ssyncadd.remote.s32 $0x1  }
0xca: {  	_ =	sfence.sel $0xFFFF  }
0xcb: {  	[dreg:$0x0] =	wrdreg $0xFFFFFFFF;
	(pc) =	sbr.abs _section_cstart, $3  }
0xcc: {  	[dreg:$0x1] =	wrdreg $0xFFFFFFFF  }
0xcd: {  	_ =	task.clear_ibuf [dreg:s10], $0x2FFFF;
	_ =	strace $0x9FFFFFFF  }
0xce: {  	(tm) =	ssettm $0x7FFFFFFF  }
0xcf: {  	_ =	shalt  }
tec
execute0_lowered:
.L_overlay_start_1:
0x0: {  	(tag) =	ssettag $0x1  }
0x1: {  	s0 =	rddreg [dreg:$0x0]  }
0x2: {  	s1 =	rddreg [dreg:$0x1]  }
0x3: {  	s3 =	rddreg [dreg:$0x2]  }
0x4: {  	s5 =	rddreg [dreg:$0x3]  }
0x5: {  	s2 =	rddreg [dreg:$0x4]  }
0x6: {  	s6 =	rddreg [dreg:$0x5];
	s4 =	srdreg.scid  }
0x7: {  	s11 =	stileid.u32;
	s7 =	simm.s32 $0x0;
	s28 =	simm.s32 $0x3000  }
0x8: {  	s29 =	simm.s32 $0x5000;
	s30 =	simm.s32 $0x1;
	s31 =	simm.s32 $0x3  }
0x9: {  	s4 =	sand.u32 $0x1, s4;
	s9 =	smul.u32 $0x1870, s11;
	[smem:$0x7FF] =	sst s7  }
0xa: {  	s8 =	smul.u32 $0x18700, s4;
	s10 =	sshll.u32 s4, $0x4;
	s4 =	ssub.s32 $0x2, s4  }
0xb: {  	_ =	strace $0x80000047;
	s10 =	sor.u32 s11, s10;
	s19 =	sshrl.u32 s4, $0x1  }
0xc: {  	s17 =	sadd.s32 s9, s8;
	s8 =	smul.u32 $0x30D40, s10;
	s4 =	ssub.s32 s4, s19  }
0xd: {  	s9 =	sadd.s32 s9, s6;
	s18 =	sshrl.u32 s17, $0x3;
	s26 =	smax.u32 s4, $0x1  }
0xe: {  	s4 =	simm.s32 $0x4;
	s2 =	sadd.s32 s18, s2;
	s20 =	sshrl.u32 s8, $0x3  }
0xf: {  	s11 =	sadd.s32 $0xFA0, s8;
	[dreg:$0xe] =	wrdreg s26;
	s21 =	sadd.s32 s0, s20  }
0x10: {  	s17 =	sadd.s32 $0x1F40, s8;
	s12 =	sadd.s32 s1, s20;
	[dreg:$0x7] =	wrdreg s21  }
0x11: {  	s22 =	sshrl.u32 s11, $0x3;
	s2 =	sadd.s32 $0x800, s2;
	[dreg:$0x8] =	wrdreg s12  }
0x12: {  	s18 =	sadd.s32 $0x2EE0, s8;
	s23 =	sadd.s32 s0, s22;
	[dreg:$0xd] =	wrdreg s2  }
.Ltmp0:
0x13: {  	s24 =	sadd.s32 s1, s22;
	[dreg:$0x9] =	wrdreg s23;
	(pc) =	sbr.rel .LBB2_1-.Ltmp0, $4  }
0x14: {  	s13 =	sadd.s32 s3, s20;
	s10 =	sadd.s32 s3, s22;
	[dreg:$0xa] =	wrdreg s24  }
0x15: {  	v0 =	vlaneseq.u32;
	s26 =	simm.s32 $0x1000;
	s25 =	sadd.s32 $0x61A6, s13;
	[dreg:$0xb] =	wrdreg s10  }
0x16: {  	v2 =	vmul.u32 $0xFA, v0;
	s22 =	simm.s32 $0x6080;
	s2 =	simm.s32 $0x2;
	[dreg:$0xc] =	wrdreg s25  }
0x17: {  	v1 =	vimm.f32 $0.0e+00;
	vm0 =	vmmov $0xffff;
	s23 =	simm.s32 $0x5;
	s25 =	simm.s32 $0x4000;
	s10 =	simm.s32 $0x0  }
.LBB2_17:
0x18: {  	s15 =	smov.u32 s14  }
.LBB2_20:
0x19: {  	_ =	sdelay $0x2  }
0x1a: {  	v5 =	vor.u32 s20, v0;
	s14 =	sadd.s32 $0xFFFFFF40, s12;
	[sflag:s30] =	ssyncadd.s32 @p0 $0xFFFFFFF0  }
0x1b: {  	[spmem:s6] =	stream.indirect_vreg.scatter.add.f32 [tilespmem:s19], [sflag:$0x1], $0x1, v4, vm0, $0xb8;
	v63 =	vld [tilespmem:$0x0]  }
0x1c: {  	s16 =	sadd.s32 $0xFFFFFF20, s15;
	v54 =	vor.u32 s14, v0;
	s19 =	sadd.s32 $0xFFFFFF50, s12  }
0x1d: {  	[spmem:s6] =	stream.indirect_vreg.scatter.add.f32 [tilespmem:s16], [sflag:$0x1], $0x1, v3, vm0, $0xb8;
	v63 =	vld [tilespmem:$0x0]  }
0x1e: {  	s20 =	sadd.s32 $0xFFFFFF30, s15;
	s21 =	sadd.s32 $0xFFFFFF60, s12;
	v3 =	vor.u32 s19, v0  }
0x1f: {  	[spmem:s6] =	stream.indirect_vreg.scatter.add.f32 [tilespmem:s20], [sflag:$0x1], $0x1, v5, vm0, $0xb8;
	v63 =	vld [tilespmem:$0x0]  }
0x20: {  	s24 =	sadd.s32 $0xFFFFFF40, s15;
	v55 =	vor.u32 s21, v0;
	s19 =	sadd.s32 $0xFFFFFF70, s12  }
0x21: {  	[spmem:s6] =	stream.indirect_vreg.scatter.add.f32 [tilespmem:s24], [sflag:$0x1], $0x1, v54, vm0, $0xb8;
	v63 =	vld [tilespmem:$0x0]  }
0x22: {  	s21 =	sadd.s32 $0xFFFFFF80, s12;
	v56 =	vor.u32 s19, v0;
	s20 =	sadd.s32 $0xFFFFFF50, s15  }
0x23: {  	[spmem:s6] =	stream.indirect_vreg.scatter.add.f32 [tilespmem:s20], [sflag:$0x1], $0x1, v3, vm0, $0xb8;
	v63 =	vld [tilespmem:$0x0]  }
0x24: {  	s19 =	sadd.s32 $0xFFFFFF90, s12;
	s24 =	sadd.s32 $0xFFFFFF60, s15;
	v3 =	vor.u32 s21, v0  }
0x25: {  	[spmem:s6] =	stream.indirect_vreg.scatter.add.f32 [tilespmem:s24], [sflag:$0x1], $0x1, v55, vm0, $0xb8;
	v63 =	vld [tilespmem:$0x0]  }
0x26: {  	v57 =	vor.u32 s19, v0;
	s20 =	sadd.s32 $0xFFFFFF70, s15;
	s21 =	sadd.s32 $0xFFFFFFA0, s12  }
0x27: {  	[spmem:s6] =	stream.indirect_vreg.scatter.add.f32 [tilespmem:s20], [sflag:$0x1], $0x1, v56, vm0, $0xb8;
	v63 =	vld [tilespmem:$0x0]  }
0x28: {  	s19 =	sadd.s32 $0xFFFFFFB0, s12;
	v58 =	vor.u32 s21, v0;
	s24 =	sadd.s32 $0xFFFFFF80, s15  }
0x29: {  	[spmem:s6] =	stream.indirect_vreg.scatter.add.f32 [tilespmem:s24], [sflag:$0x1], $0x1, v3, vm0, $0xb8;
	v63 =	vld [tilespmem:$0x0]  }
0x2a: {  	s21 =	sadd.s32 $0xFFFFFFC0, s12;
	s20 =	sadd.s32 $0xFFFFFF90, s15;
	v3 =	vor.u32 s19, v0  }
0x2b: {  	[spmem:s6] =	stream.indirect_vreg.scatter.add.f32 [tilespmem:s20], [sflag:$0x1], $0x1, v57, vm0, $0xb8;
	v63 =	vld [tilespmem:$0x0]  }
0x2c: {  	v59 =	vor.u32 s21, v0;
	s24 =	sadd.s32 $0xFFFFFFA0, s15;
	s19 =	sadd.s32 $0xFFFFFFD0, s12  }
0x2d: {  	[spmem:s6] =	stream.indirect_vreg.scatter.add.f32 [tilespmem:s24], [sflag:$0x1], $0x1, v58, vm0, $0xb8;
	v63 =	vld [tilespmem:$0x0]  }
0x2e: {  	s21 =	sadd.s32 $0xFFFFFFE0, s12;
	v60 =	vor.u32 s19, v0;
	s20 =	sadd.s32 $0xFFFFFFB0, s15  }
0x2f: {  	[spmem:s6] =	stream.indirect_vreg.scatter.add.f32 [tilespmem:s20], [sflag:$0x1], $0x1, v3, vm0, $0xb8;
	v63 =	vld [tilespmem:$0x0]  }
0x30: {  	s19 =	sadd.s32 $0xFFFFFFF0, s12;
	s24 =	sadd.s32 $0xFFFFFFC0, s15;
	v3 =	vor.u32 s21, v0  }
0x31: {  	[spmem:s6] =	stream.indirect_vreg.scatter.add.f32 [tilespmem:s24], [sflag:$0x1], $0x1, v59, vm0, $0xb8;
	v63 =	vld [tilespmem:$0x0]  }
0x32: {  	v61 =	vor.u32 s19, v0;
	s20 =	sadd.s32 $0xFFFFFFD0, s15  }
0x33: {  	[spmem:s6] =	stream.indirect_vreg.scatter.add.f32 [tilespmem:s20], [sflag:$0x1], $0x1, v60, vm0, $0xb8;
	v63 =	vld [tilespmem:$0x0]  }
0x34: {  	v62 =	vor.u32 s12, v0;
	s21 =	sadd.s32 $0xFFFFFFE0, s15  }
0x35: {  	[spmem:s6] =	stream.indirect_vreg.scatter.add.f32 [tilespmem:s21], [sflag:$0x1], $0x1, v3, vm0, $0xb8;
	v63 =	vld [tilespmem:$0x0]  }
0x36: {  	s24 =	sadd.s32 $0xFFFFFFF0, s15  }
0x37: {  	[spmem:s6] =	stream.indirect_vreg.scatter.add.f32 [tilespmem:s24], [sflag:$0x1], $0x1, v61, vm0, $0xb8;
	v63 =	vld [tilespmem:$0x0]  }
0x38: {  	_ = 	snop  }
0x39: {  	[spmem:s6] =	stream.indirect_vreg.scatter.add.f32 [tilespmem:s15], [sflag:$0x1], $0x1, v62, vm0, $0xb8;
	v63 =	vld [tilespmem:$0x0]  }
0x3a: {  	_ =	swait.ge [sflag:s30], $0x10  }
0x3b: {  	[sflag:s30] =	ssyncset.done $0x0  }
0x3c: {  	[sflag:s30] =	ssyncadd.s32 $0xFFFFFFF0  }
0x3d: {  	_ =	swait.ge [sflag:s30], $0x10  }
0x3e: {  	[sflag:s30] =	ssyncset.done $0x0  }
0x3f: {  	[sflag:s30] =	ssyncadd.s32 $0xFFFFFFF0  }
0x40: {  	_ =	swait.ge [sflag:s30], $0x10  }
0x41: {  	[sflag:s30] =	ssyncset.done $0x0  }
0x42: {  	[sflag:s30] =	ssyncadd.s32 $0xFFFFFFF0  }
0x43: {  	_ =	swait.ge [sflag:s30], $0x10  }
0x44: {  	[sflag:s30] =	ssyncset.done $0x0  }
0x45: {  	[sflag:s30] =	ssyncadd.s32 $0xFFFFFFF0  }
0x46: {  	_ =	swait.ge [sflag:s30], $0x10  }
0x47: {  	[sflag:s30] =	ssyncset.done $0x0  }
0x48: {  	[sflag:s30] =	ssyncadd.s32 $0xFFFFFFF0  }
0x49: {  	_ =	swait.ge [sflag:s30], $0x10  }
0x4a: {  	[sflag:s30] =	ssyncset.done $0x0  }
0x4b: {  	[sflag:s30] =	ssyncadd.s32 $0xFFFFFFF0  }
0x4c: {  	_ =	swait.ge [sflag:s30], $0x10  }
0x4d: {  	[sflag:s30] =	ssyncset.done $0x0  }
0x4e: {  	[sflag:s30] =	ssyncadd.s32 $0xFFFFFFF0  }
0x4f: {  	_ =	swait.ge [sflag:s30], $0x10  }
0x50: {  	[sflag:s30] =	ssyncset.done $0x0  }
0x51: {  	[sflag:s30] =	ssyncadd.s32 $0xFFFFFFF0  }
0x52: {  	_ =	swait.ge [sflag:s30], $0x10  }
0x53: {  	[sflag:s30] =	ssyncset.done $0x0  }
0x54: {  	[sflag:s30] =	ssyncadd.s32 $0xFFFFFFF0  }
0x55: {  	_ =	swait.ge [sflag:s30], $0x10  }
0x56: {  	[sflag:s30] =	ssyncset.done $0x0  }
0x57: {  	[sflag:s30] =	ssyncadd.s32 $0xFFFFFFF0  }
0x58: {  	_ =	swait.ge [sflag:s30], $0x10  }
0x59: {  	[sflag:s30] =	ssyncset.done $0x0  }
0x5a: {  	[sflag:s30] =	ssyncadd.s32 $0xFFFFFFF0  }
0x5b: {  	_ =	swait.ge [sflag:s30], $0x10  }
0x5c: {  	[sflag:s30] =	ssyncset.done $0x0  }
0x5d: {  	[sflag:s30] =	ssyncadd.s32 $0xFFFFFFF0  }
0x5e: {  	_ =	swait.ge [sflag:s30], $0x10  }
0x5f: {  	[sflag:s30] =	ssyncset.done $0x0  }
0x60: {  	[sflag:s30] =	ssyncadd.s32 $0xFFFFFFF0  }
0x61: {  	_ =	swait.ge [sflag:s30], $0x10  }
0x62: {  	[sflag:s30] =	ssyncset.done $0x0  }
0x63: {  	[sflag:s30] =	ssyncadd.s32 $0xFFFFFFF0  }
0x64: {  	_ =	swait.ge [sflag:s30], $0x10  }
0x65: {  	[sflag:s30] =	ssyncset.done $0x0  }
0x66: {  	[sflag:s30] =	ssyncadd.s32 $0xFFFFFFF0  }
0x67: {  	_ =	swait.ge [sflag:s30], $0x10  }
0x68: {  	[sflag:s30] =	ssyncset.done $0x0  }
0x69: {  	[sflag:s30] =	ssyncadd.s32 $0xFFFFFFF0  }
.LBB2_21:
0x6a: {  	[bflag:$0x0] =	sbarrier.arrive $0xFFFF  }
0x6b: {  	[tilespmem:s22], [sflag:$0x5] =	stream.linear.gather [spmem:s9], $0x1870, $0x38;
	v63 =	vld [tilespmem:$0x0]  }
0x6c: {  	_ =	swait.ge [sflag:s23], $0x1870  }
0x6d: {  	[sflag:s23] =	ssyncset.done $0x0  }
0x6e: {  	s12 =	rddreg [dreg:$0xd];
	[sflag:s23] =	ssyncadd.s32 $0xFFFFE790  }
0x6f: {  	[hbm4b:s12+s7] =	stream.linear.scatter [tilespmem:s22], [sflag:$0x5], $0x1870, $0x38;
	v63 =	vld [tilespmem:$0x0]  }
0x70: {  	_ =	swait.ge [sflag:s23], $0x1870  }
0x71: {  	s10 =	sadd.s32 $0x1, s10;
	s24 =	rddreg [dreg:$0xe]  }
0x72: {  	p0 =	sne.s32 s10, s24  }
.Ltmp1:
0x73: {  	_ = 	snop;
	(pc) =	sbr.rel @!p0 .LBB2_22-.Ltmp1, $3  }
0x74: {  	_ =	sdelay $0x1  }
0x75: {  	[sflag:s23] =	ssyncset.done $0x0  }
0x76: {  	[sflag:s23] =	ssyncadd.s32 $0xFFFFE790  }
.LBB2_1:
0x77: {  	s12 =	simm.s32 $0x0;
	s14 =	simm.s32 $0x400  }
.LBB2_2:
0x78: {  	p0 =	sne.s32 s14, $0x61800;
	[tilespmem:s12+$0x6170] =	vst v1  }
0x79: {  	[tilespmem:s12+$0x6080] =	vst v1  }
0x7a: {  	[tilespmem:s12+$0x6090] =	vst v1  }
0x7b: {  	[tilespmem:s12+$0x60A0] =	vst v1  }
0x7c: {  	[tilespmem:s12+$0x60B0] =	vst v1  }
0x7d: {  	[tilespmem:s12+$0x60C0] =	vst v1  }
0x7e: {  	[tilespmem:s12+$0x60D0] =	vst v1  }
0x7f: {  	[tilespmem:s12+$0x60E0] =	vst v1  }
0x80: {  	[tilespmem:s12+$0x60F0] =	vst v1  }
0x81: {  	[tilespmem:s12+$0x6100] =	vst v1  }
0x82: {  	[tilespmem:s12+$0x6110] =	vst v1  }
.Ltmp2:
0x83: {  	[tilespmem:s12+$0x6120] =	vst v1;
	(pc) =	sbr.rel @p0 .LBB2_2-.Ltmp2, $4  }
0x84: {  	[tilespmem:s12+$0x6130] =	vst v1  }
0x85: {  	[tilespmem:s12+$0x6140] =	vst v1  }
0x86: {  	[tilespmem:s12+$0x6150] =	vst v1  }
0x87: {  	[tilespmem:s12+$0x6160] =	vst v1;
	s12 =	sshra.s32 s14, $0x2;
	s14 =	sadd.s32 $0x400, s14  }
0x88: {  	[tilespmem:s12+$0x6170] =	vst v1  }
0x89: {  	[tilespmem:s12+$0x6080] =	vst v1  }
0x8a: {  	[tilespmem:s12+$0x6090] =	vst v1  }
0x8b: {  	[tilespmem:s12+$0x60A0] =	vst v1  }
0x8c: {  	[tilespmem:s12+$0x60B0] =	vst v1  }
0x8d: {  	[tilespmem:s12+$0x60C0] =	vst v1  }
0x8e: {  	[tilespmem:s12+$0x60D0] =	vst v1  }
0x8f: {  	[tilespmem:s12+$0x60E0] =	vst v1  }
0x90: {  	[tilespmem:s12+$0x60F0] =	vst v1  }
0x91: {  	[tilespmem:s12+$0x6100] =	vst v1  }
0x92: {  	[tilespmem:s12+$0x6110] =	vst v1  }
0x93: {  	[tilespmem:s12+$0x6120] =	vst v1  }
0x94: {  	[tilespmem:s12+$0x6130] =	vst v1  }
0x95: {  	[tilespmem:s12+$0x6140] =	vst v1  }
0x96: {  	[tilespmem:s12+$0x6150] =	vst v1  }
0x97: {  	[tilespmem:s12+$0x6160] =	vst v1  }
0x98: {  	[spmem:s9] =	stream.linear.scatter [tilespmem:s22], [sflag:$0x5], $0x1870, $0x38;
	v63 =	vld [tilespmem:$0x0]  }
0x99: {  	_ =	swait.ge [sflag:s23], $0x1870  }
0x9a: {  	[sflag:s23] =	ssyncset.done $0x0  }
0x9b: {  	[sflag:s23] =	ssyncadd.s32 $0xFFFFE790  }
0x9c: {  	[bflag:$0x0] =	sbarrier.arrive $0xFFFF  }
0x9d: {  	s12 =	simm.s32 $0x0;
	s14 =	rddreg [dreg:$0x7]  }
0x9e: {  	[tilespmem:s12], [sflag:$0x1] =	stream.linear.gather [hbm4b:s14+s12], $0xFA0, $0x38;
	v63 =	vld [tilespmem:$0x0]  }
0x9f: {  	s15 =	simm.s32 $0x2000;
	s19 =	rddreg [dreg:$0x8]  }
0xa0: {  	[tilespmem:s15], [sflag:$0x1] =	stream.linear.gather [hbm4b:s19+s12], $0xFA0, $0x38;
	v63 =	vld [tilespmem:$0x0]  }
0xa1: {  	_ = 	snop  }
0xa2: {  	[tilespmem:s25], [sflag:$0x1] =	stream.linear.gather [hbm4b:s13+s12], $0xFA0, $0x38;
	v63 =	vld [tilespmem:$0x0]  }
0xa3: {  	s20 =	rddreg [dreg:$0x9]  }
0xa4: {  	[tilespmem:s26], [sflag:$0x2] =	stream.linear.gather [hbm4b:s20+s12], $0xFA0, $0x38;
	v63 =	vld [tilespmem:$0x0]  }
0xa5: {  	s21 =	rddreg [dreg:$0xa]  }
0xa6: {  	[tilespmem:s28], [sflag:$0x2] =	stream.linear.gather [hbm4b:s21+s12], $0xFA0, $0x38;
	v63 =	vld [tilespmem:$0x0]  }
0xa7: {  	s24 =	rddreg [dreg:$0xb]  }
0xa8: {  	[tilespmem:s29], [sflag:$0x2] =	stream.linear.gather [hbm4b:s24+s12], $0xFA0, $0x38;
	v63 =	vld [tilespmem:$0x0]  }
.LBB2_4:
0xa9: {  	_ =	swait.ge [sflag:s30], $0xFA0  }
0xaa: {  	[sflag:s30] =	ssyncset.done $0x0  }
0xab: {  	[sflag:s30] =	ssyncadd.s32 $0xFFFFF060  }
0xac: {  	_ =	swait.ge [sflag:s30], $0xFA0  }
0xad: {  	[sflag:s30] =	ssyncset.done $0x0  }
0xae: {  	[sflag:s30] =	ssyncadd.s32 $0xFFFFF060  }
0xaf: {  	_ =	swait.ge [sflag:s30], $0xFA0  }
0xb0: {  	[sflag:s30] =	ssyncset.done $0x0  }
0xb1: {  	s15 =	simm.s32 $0x20;
	[sflag:s30] =	ssyncadd.s32 $0xFFFFF060  }
0xb2: {  	s14 =	simm.s32 $0x2020;
	v5 =	vld [tilespmem:s15+$0x20]  }
0xb3: {  	v7 =	vld [tilespmem:s14+$0x20]  }
0xb4: {  	v3 =	vld [tilespmem:s14+$0xFFFFFFE0]  }
0xb5: {  	v9 =	vld [tilespmem:s15+$0xFFFFFFF0]  }
0xb6: {  	v10 =	vld [tilespmem:s14+$0xFFFFFFF0]  }
0xb7: {  	v4 =	vld [tilespmem:s15+$0x0]  }
0xb8: {  	v6 =	vld [tilespmem:s14+$0x0]  }
0xb9: {  	v8 =	vadd.f32 v7, v5;
	v5 =	vld [tilespmem:s15+$0x10]  }
0xba: {  	v7 =	vld [tilespmem:s14+$0x10]  }
0xbb: {  	s16 =	simm.s32 $0x0;
	s19 =	simm.s32 $0x70;
	v9 =	vadd.f32 v10, v9;
	[tilespmem:s15+$0x20] =	vst v8;
	v8 =	vld [tilespmem:s15+$0xFFFFFFE0]  }
.LBB2_5:
0xbc: {  	v10 =	vld [tilespmem:s19+$0x20];
	s14 =	sadd.s32 $0x50, s14  }
0xbd: {  	s16 =	sadd.s32 $0x5, s16;
	v11 =	vld [tilespmem:s14+$0x20];
	[tilespmem:s15+$0xFFFFFFF0] =	vst v9;
	v4 =	vadd.f32 v6, v4  }
0xbe: {  	p0 =	slt.u32 s16, $0xF5;
	v9 =	vld [tilespmem:s14+$0xFFFFFFE0]  }
0xbf: {  	v12 =	vld [tilespmem:s19+$0xFFFFFFF0];
	[tilespmem:s15+$0x0] =	vst v4;
	v5 =	vadd.f32 v7, v5  }
0xc0: {  	v13 =	vld [tilespmem:s14+$0xFFFFFFF0];
	v7 =	vadd.f32 v3, v8  }
.Ltmp3:
0xc1: {  	v4 =	vld [tilespmem:s19+$0x0];
	[tilespmem:s15+$0x10] =	vst v5;
	(pc) =	sbr.rel @p0 .LBB2_5-.Ltmp3, $4  }
0xc2: {  	v6 =	vld [tilespmem:s14+$0x0];
	v8 =	vadd.f32 v11, v10;
	[tilespmem:s15+$0xFFFFFFE0] =	vst v7;
	s15 =	smov.u32 s19  }
0xc3: {  	v5 =	vld [tilespmem:s19+$0x10];
	v3 =	vmov v9  }
0xc4: {  	v7 =	vld [tilespmem:s14+$0x10];
	[tilespmem:s19+$0x20] =	vst v8  }
0xc5: {  	s19 =	sadd.s32 $0x50, s19;
	v8 =	vld [tilespmem:s15+$0xFFFFFFE0];
	v9 =	vadd.f32 v13, v12  }
0xc6: {  	_ =	sdelay $0x1  }
0xc7: {  	s14 =	smul.u32 $0x1F40, s12;
	s16 =	simm.s32 $0x0;
	v4 =	vadd.f32 v6, v4  }
0xc8: {  	[tilespmem:s15+$0xFFFFFFF0] =	vst v9;
	v5 =	vadd.f32 v7, v5;
	v7 =	vadd.s32 s16, v2  }
0xc9: {  	s20 =	simm.s32 $0x4;
	s19 =	sadd.s32 s8, s14;
	[tilespmem:s15+$0x0] =	vst v4;
	v3 =	vadd.f32 v3, v8  }
0xca: {  	v6 =	vadd.s32 s20, v2;
	s19 =	sshrl.u32 s19, $0x3;
	[tilespmem:s15+$0x10] =	vst v5  }
0xcb: {  	s21 =	simm.s32 $0x3;
	s19 =	sadd.s32 s5, s19;
	[tilespmem:s15+$0xFFFFFFE0] =	vst v3  }
0xcc: {  	v5 =	vadd.s32 s21, v2;
	[hbm4b:s19+s16] =	stream.linear.scatter [tilespmem:s16], [sflag:$0x3], $0xFA0, $0x38;
	v63 =	vld [tilespmem:$0x0]  }
0xcd: {  	s24 =	simm.s32 $0x2;
	v3 =	vld.idx.msk [tilespmem:v7+s7+$0x0], $0xffff  }
0xce: {  	s15 =	simm.s32 $0x5;
	s16 =	simm.s32 $0x1;
	v4 =	vld.idx.msk [tilespmem:v7+s25+$0x0], $0xffff;
	v7 =	vadd.s32 s24, v2  }
.LBB2_7:
0xcf: {  	p0 =	slt.u32 s15, $0xF5;
	v8 =	vadd.s32 s16, v2;
	v9 =	vld.idx.msk [tilespmem:v6+s7+$0x0], $0xffff  }
0xd0: {  	v10 =	vld.idx.msk [tilespmem:v6+s25+$0x0], $0xffff  }
0xd1: {  	v11 =	vld.idx.msk [tilespmem:v5+s7+$0x0], $0xffff  }
0xd2: {  	v12 =	vadd.s32 s15, v2;
	v5 =	vld.idx.msk [tilespmem:v5+s25+$0x0], $0xffff  }
0xd3: {  	v13 =	vld.idx.msk [tilespmem:v7+s25+$0x0], $0xffff  }
0xd4: {  	v14 =	vld.idx.msk [tilespmem:v8+s25+$0x0], $0xffff  }
0xd5: {  	v7 =	vld.idx.msk [tilespmem:v7+s7+$0x0], $0xffff  }
0xd6: {  	v8 =	vld.idx.msk [tilespmem:v8+s7+$0x0], $0xffff  }
0xd7: {  	v15 =	vld.idx.msk [tilespmem:v12+s7+$0x0], $0xffff  }
0xd8: {  	s16 =	sadd.s32 $0x4, s15;
	[tilespmem:v4+s22+$0x0] =	vst.idx.add.f32.msk $0xffff, v3  }
.Ltmp4:
0xd9: {  	v6 =	vadd.s32 s16, v2;
	[tilespmem:v10+s22+$0x0] =	vst.idx.add.f32.msk $0xffff, v9;
	(pc) =	sbr.rel @p0 .LBB2_7-.Ltmp4, $4  }
0xda: {  	s16 =	sadd.s32 $0x3, s15;
	[tilespmem:v5+s22+$0x0] =	vst.idx.add.f32.msk $0xffff, v11  }
0xdb: {  	v5 =	vadd.s32 s16, v2;
	[tilespmem:v13+s22+$0x0] =	vst.idx.add.f32.msk $0xffff, v7  }
0xdc: {  	s19 =	sadd.s32 $0x2, s15;
	[tilespmem:v14+s22+$0x0] =	vst.idx.add.f32.msk $0xffff, v8  }
0xdd: {  	s16 =	sadd.s32 $0x1, s15;
	s15 =	sadd.s32 $0x5, s15;
	v7 =	vadd.s32 s19, v2;
	v3 =	vmov v15;
	v4 =	vld.idx.msk [tilespmem:v12+s25+$0x0], $0xffff  }
0xde: {  	_ =	sdelay $0x2  }
0xdf: {  	v8 =	vadd.s32 s16, v2  }
0xe0: {  	v9 =	vld.idx.msk [tilespmem:v6+s7+$0x0], $0xffff  }
0xe1: {  	v6 =	vld.idx.msk [tilespmem:v6+s25+$0x0], $0xffff  }
0xe2: {  	v10 =	vld.idx.msk [tilespmem:v5+s25+$0x0], $0xffff  }
0xe3: {  	v11 =	vld.idx.msk [tilespmem:v7+s25+$0x0], $0xffff  }
0xe4: {  	v12 =	vld.idx.msk [tilespmem:v8+s25+$0x0], $0xffff  }
0xe5: {  	v5 =	vld.idx.msk [tilespmem:v5+s7+$0x0], $0xffff  }
0xe6: {  	v7 =	vld.idx.msk [tilespmem:v7+s7+$0x0], $0xffff  }
0xe7: {  	v8 =	vld.idx.msk [tilespmem:v8+s7+$0x0], $0xffff  }
0xe8: {  	[tilespmem:v4+s22+$0x0] =	vst.idx.add.f32.msk $0xffff, v3  }
0xe9: {  	[tilespmem:v6+s22+$0x0] =	vst.idx.add.f32.msk $0xffff, v9  }
0xea: {  	[tilespmem:v10+s22+$0x0] =	vst.idx.add.f32.msk $0xffff, v5  }
0xeb: {  	[tilespmem:v11+s22+$0x0] =	vst.idx.add.f32.msk $0xffff, v7  }
0xec: {  	p0 =	seq.s32 s12, $0x18;
	[tilespmem:v12+s22+$0x0] =	vst.idx.add.f32.msk $0xffff, v8  }
0xed: {  	s15 =	sadd.s32 @!p0 s14, s17;
	_ =	swait.ge [sflag:s31], $0xFA0  }
0xee: {  	s15 =	sshrl.u32 @!p0 s15, $0x3;
	[sflag:s31] =	ssyncset.done $0x0  }
0xef: {  	s19 =	simm.s32 @!p0 $0x0;
	s16 =	sadd.s32 @!p0 s0, s15;
	[sflag:s31] =	ssyncadd.s32 $0xFFFFF060  }
0xf0: {  	[tilespmem:s19], [sflag:$0x1] =	stream.linear.gather @!p0 [hbm4b:s16+s19], $0xFA0, $0x38;
	v63 =	vld [tilespmem:$0x0]  }
0xf1: {  	s20 =	simm.s32 @!p0 $0x2000;
	s16 =	sadd.s32 @!p0 s1, s15  }
0xf2: {  	[tilespmem:s20], [sflag:$0x1] =	stream.linear.gather @!p0 [hbm4b:s16+s19], $0xFA0, $0x38;
	v63 =	vld [tilespmem:$0x0]  }
0xf3: {  	s15 =	sadd.s32 @!p0 s3, s15;
	s16 =	simm.s32 @!p0 $0x4000  }
0xf4: {  	[tilespmem:s16], [sflag:$0x1] =	stream.linear.gather @!p0 [hbm4b:s15+s19], $0xFA0, $0x38;
	v63 =	vld [tilespmem:$0x0]  }
0xf5: {  	_ =	swait.ge [sflag:s2], $0xFA0  }
0xf6: {  	[sflag:s2] =	ssyncset.done $0x0  }
0xf7: {  	[sflag:s2] =	ssyncadd.s32 $0xFFFFF060  }
0xf8: {  	_ =	swait.ge [sflag:s2], $0xFA0  }
0xf9: {  	[sflag:s2] =	ssyncset.done $0x0  }
0xfa: {  	[sflag:s2] =	ssyncadd.s32 $0xFFFFF060  }
0xfb: {  	_ =	swait.ge [sflag:s2], $0xFA0  }
0xfc: {  	[sflag:s2] =	ssyncset.done $0x0  }
0xfd: {  	s15 =	simm.s32 $0x1020;
	[sflag:s2] =	ssyncadd.s32 $0xFFFFF060  }
0xfe: {  	s16 =	simm.s32 $0x3020;
	v5 =	vld [tilespmem:s15+$0x20]  }
0xff: {  	v7 =	vld [tilespmem:s16+$0x20]  }
0x100: {  	v3 =	vld [tilespmem:s16+$0xFFFFFFE0]  }
0x101: {  	v9 =	vld [tilespmem:s15+$0xFFFFFFF0]  }
0x102: {  	v10 =	vld [tilespmem:s16+$0xFFFFFFF0]  }
0x103: {  	v4 =	vld [tilespmem:s15+$0x0]  }
0x104: {  	v6 =	vld [tilespmem:s16+$0x0]  }
0x105: {  	v8 =	vadd.f32 v7, v5;
	v5 =	vld [tilespmem:s15+$0x10]  }
0x106: {  	v7 =	vld [tilespmem:s16+$0x10]  }
0x107: {  	s20 =	simm.s32 $0x1070;
	s19 =	simm.s32 $0x0;
	v9 =	vadd.f32 v10, v9;
	[tilespmem:s15+$0x20] =	vst v8;
	v8 =	vld [tilespmem:s15+$0xFFFFFFE0]  }
.LBB2_9:
0x108: {  	v10 =	vld [tilespmem:s20+$0x20];
	s16 =	sadd.s32 $0x50, s16  }
0x109: {  	s19 =	sadd.s32 $0x5, s19;
	v11 =	vld [tilespmem:s16+$0x20];
	[tilespmem:s15+$0xFFFFFFF0] =	vst v9;
	v4 =	vadd.f32 v6, v4  }
0x10a: {  	p1 =	slt.u32 s19, $0xF5;
	v9 =	vld [tilespmem:s16+$0xFFFFFFE0]  }
0x10b: {  	v12 =	vld [tilespmem:s20+$0xFFFFFFF0];
	[tilespmem:s15+$0x0] =	vst v4;
	v5 =	vadd.f32 v7, v5  }
0x10c: {  	v13 =	vld [tilespmem:s16+$0xFFFFFFF0];
	v7 =	vadd.f32 v3, v8  }
.Ltmp5:
0x10d: {  	v4 =	vld [tilespmem:s20+$0x0];
	[tilespmem:s15+$0x10] =	vst v5;
	(pc) =	sbr.rel @p1 .LBB2_9-.Ltmp5, $4  }
0x10e: {  	v6 =	vld [tilespmem:s16+$0x0];
	v8 =	vadd.f32 v11, v10;
	[tilespmem:s15+$0xFFFFFFE0] =	vst v7;
	s15 =	smov.u32 s20  }
0x10f: {  	v5 =	vld [tilespmem:s20+$0x10];
	v3 =	vmov v9  }
0x110: {  	v7 =	vld [tilespmem:s16+$0x10];
	[tilespmem:s20+$0x20] =	vst v8  }
0x111: {  	s20 =	sadd.s32 $0x50, s20;
	v8 =	vld [tilespmem:s15+$0xFFFFFFE0];
	v9 =	vadd.f32 v13, v12  }
0x112: {  	_ =	sdelay $0x1  }
0x113: {  	s16 =	simm.s32 $0x0;
	v4 =	vadd.f32 v6, v4  }
0x114: {  	[tilespmem:s15+$0xFFFFFFF0] =	vst v9;
	v5 =	vadd.f32 v7, v5;
	v7 =	vadd.s32 s16, v2  }
0x115: {  	s19 =	sadd.s32 s14, s11;
	s20 =	simm.s32 $0x4;
	[tilespmem:s15+$0x0] =	vst v4;
	v3 =	vadd.f32 v3, v8  }
0x116: {  	s19 =	sshrl.u32 s19, $0x3;
	v6 =	vadd.s32 s20, v2;
	[tilespmem:s15+$0x10] =	vst v5  }
0x117: {  	s21 =	simm.s32 $0x3;
	s19 =	sadd.s32 s5, s19;
	[tilespmem:s15+$0xFFFFFFE0] =	vst v3  }
0x118: {  	v5 =	vadd.s32 s21, v2;
	[hbm4b:s19+s16] =	stream.linear.scatter [tilespmem:s26], [sflag:$0x4], $0xFA0, $0x38;
	v63 =	vld [tilespmem:$0x0]  }
0x119: {  	s24 =	simm.s32 $0x2;
	v3 =	vld.idx.msk [tilespmem:v7+s26+$0x0], $0xffff  }
0x11a: {  	s15 =	simm.s32 $0x5;
	s16 =	simm.s32 $0x1;
	v4 =	vld.idx.msk [tilespmem:v7+s29+$0x0], $0xffff;
	v7 =	vadd.s32 s24, v2  }
.LBB2_11:
0x11b: {  	p1 =	slt.u32 s15, $0xF5;
	v8 =	vadd.s32 s16, v2;
	v9 =	vld.idx.msk [tilespmem:v6+s26+$0x0], $0xffff  }
0x11c: {  	v10 =	vld.idx.msk [tilespmem:v6+s29+$0x0], $0xffff  }
0x11d: {  	v11 =	vld.idx.msk [tilespmem:v5+s26+$0x0], $0xffff  }
0x11e: {  	v12 =	vadd.s32 s15, v2;
	v5 =	vld.idx.msk [tilespmem:v5+s29+$0x0], $0xffff  }
0x11f: {  	v13 =	vld.idx.msk [tilespmem:v7+s29+$0x0], $0xffff  }
0x120: {  	v14 =	vld.idx.msk [tilespmem:v8+s29+$0x0], $0xffff  }
0x121: {  	v7 =	vld.idx.msk [tilespmem:v7+s26+$0x0], $0xffff  }
0x122: {  	v8 =	vld.idx.msk [tilespmem:v8+s26+$0x0], $0xffff  }
0x123: {  	v15 =	vld.idx.msk [tilespmem:v12+s26+$0x0], $0xffff  }
0x124: {  	s16 =	sadd.s32 $0x4, s15;
	[tilespmem:v4+s22+$0x0] =	vst.idx.add.f32.msk $0xffff, v3  }
.Ltmp6:
0x125: {  	v6 =	vadd.s32 s16, v2;
	[tilespmem:v10+s22+$0x0] =	vst.idx.add.f32.msk $0xffff, v9;
	(pc) =	sbr.rel @p1 .LBB2_11-.Ltmp6, $4  }
0x126: {  	s16 =	sadd.s32 $0x3, s15;
	[tilespmem:v5+s22+$0x0] =	vst.idx.add.f32.msk $0xffff, v11  }
0x127: {  	v5 =	vadd.s32 s16, v2;
	[tilespmem:v13+s22+$0x0] =	vst.idx.add.f32.msk $0xffff, v7  }
0x128: {  	s19 =	sadd.s32 $0x2, s15;
	[tilespmem:v14+s22+$0x0] =	vst.idx.add.f32.msk $0xffff, v8  }
0x129: {  	s16 =	sadd.s32 $0x1, s15;
	s15 =	sadd.s32 $0x5, s15;
	v7 =	vadd.s32 s19, v2;
	v3 =	vmov v15;
	v4 =	vld.idx.msk [tilespmem:v12+s29+$0x0], $0xffff  }
0x12a: {  	_ =	sdelay $0x2  }
0x12b: {  	v8 =	vadd.s32 s16, v2  }
0x12c: {  	v9 =	vld.idx.msk [tilespmem:v6+s26+$0x0], $0xffff  }
0x12d: {  	v60 =	vld.idx.msk [tilespmem:v6+s29+$0x0], $0xffff  }
0x12e: {  	v10 =	vld.idx.msk [tilespmem:v5+s29+$0x0], $0xffff  }
0x12f: {  	v11 =	vld.idx.msk [tilespmem:v7+s29+$0x0], $0xffff  }
0x130: {  	v12 =	vld.idx.msk [tilespmem:v8+s29+$0x0], $0xffff  }
0x131: {  	v61 =	vld.idx.msk [tilespmem:v5+s26+$0x0], $0xffff  }
0x132: {  	v62 =	vld.idx.msk [tilespmem:v7+s26+$0x0], $0xffff  }
0x133: {  	v8 =	vld.idx.msk [tilespmem:v8+s26+$0x0], $0xffff  }
0x134: {  	[tilespmem:v4+s22+$0x0] =	vst.idx.add.f32.msk $0xffff, v3  }
0x135: {  	[tilespmem:v60+s22+$0x0] =	vst.idx.add.f32.msk $0xffff, v9  }
0x136: {  	[tilespmem:v10+s22+$0x0] =	vst.idx.add.f32.msk $0xffff, v61  }
.Ltmp7:
0x137: {  	[tilespmem:v11+s22+$0x0] =	vst.idx.add.f32.msk $0xffff, v62;
	(pc) =	sbr.rel @p0 .LBB2_14-.Ltmp7, $4  }
0x138: {  	[tilespmem:v12+s22+$0x0] =	vst.idx.add.f32.msk $0xffff, v8  }
0x139: {  	_ =	swait.ge [sflag:s4], $0xFA0  }
0x13a: {  	[sflag:s4] =	ssyncset.done $0x0  }
0x13b: {  	[sflag:s4] =	ssyncadd.s32 $0xFFFFF060  }
0x13c: {  	s14 =	sadd.s32 s14, s18  }
0x13d: {  	s14 =	sshrl.u32 s14, $0x3  }
0x13e: {  	s15 =	sadd.s32 s0, s14  }
0x13f: {  	[tilespmem:s26], [sflag:$0x2] =	stream.linear.gather [hbm4b:s15+s7], $0xFA0, $0x38;
	v63 =	vld [tilespmem:$0x0]  }
.Ltmp8:
0x140: {  	_ = 	snop;
	(pc) =	sbr.rel .LBB2_4-.Ltmp8, $4  }
0x141: {  	s24 =	sadd.s32 s1, s14  }
0x142: {  	[tilespmem:s28], [sflag:$0x2] =	stream.linear.gather [hbm4b:s24+s7], $0xFA0, $0x38;
	v63 =	vld [tilespmem:$0x0]  }
0x143: {  	s12 =	sadd.s32 $0x1, s12;
	s14 =	sadd.s32 s3, s14  }
0x144: {  	[tilespmem:s29], [sflag:$0x2] =	stream.linear.gather [hbm4b:s14+s7], $0xFA0, $0x38;
	v63 =	vld [tilespmem:$0x0]  }
.LBB2_14:
0x145: {  	s15 =	simm.s32 $0x6000  }
0x146: {  	[tilespmem:s15], [sflag:$0x5] =	stream.linear.gather [hbm4b:s13+s7], $0x10, $0x38;
	v63 =	vld [tilespmem:$0x0]  }
0x147: {  	_ =	swait.ge [sflag:s23], $0x10  }
0x148: {  	[sflag:s23] =	ssyncset.done $0x0  }
0x149: {  	[sflag:s23] =	ssyncadd.s32 $0xFFFFFFF0  }
0x14a: {  	v3 =	vld [tilespmem:$0x6000];
	_ =	sdelay $0x4  }
0x14b: {  	(v2sf) =	vpush v3, $0x0;
	_ =	sdelay $0xc  }
0x14c: {  	s14 =	rddreg [dreg:$0xc]  }
0x14d: {  	[tilespmem:s15], [sflag:$0x5] =	stream.linear.gather [hbm4b:s14+s7], $0x10, $0x38;
	v63 =	vld [tilespmem:$0x0]  }
0x14e: {  	s12 =	spop (v2sf)  }
0x14f: {  	_ =	swait.ge [sflag:s23], $0x10  }
0x150: {  	[sflag:s23] =	ssyncset.done $0x0  }
0x151: {  	[sflag:s23] =	ssyncadd.s32 $0xFFFFFFF0  }
0x152: {  	v3 =	vld [tilespmem:$0x6000];
	_ =	sdelay $0x4  }
0x153: {  	(v2sf) =	vpush v3, $0xF;
	_ =	sdelay $0x8  }
0x154: {  	s16 =	sand.u32 $0xFF, s12  }
0x155: {  	s19 =	sshra.s32 s12, $0x1F;
	p0 =	slt.s32 s12, $0x1;
	p1 =	sne.s32 s16, $0x0  }
0x156: {  	s20 =	sshrl.u32 s19, $0x18;
	p0 =	por !p0, !p1  }
0x157: {  	s14 =	simm.s32 $0x1;
	s12 =	sadd.s32 s20, s12;
	p0 =	por !p0, !p0  }
0x158: {  	s12 =	sshra.s32 s12, $0x8;
	s14 =	simm.s32 @!p0 $0x0  }
0x159: {  	s14 =	ssub.s32 s12, s14  }
0x15a: {  	s12 =	sshll.u32 s14, $0x8;
	s21 =	spop (v2sf)  }
0x15b: {  	s16 =	ssub.s32 s21, s12  }
0x15c: {  	s15 =	sand.u32 $0xFF, s21;
	s16 =	sadd.s32 $0x100, s16  }
0x15d: {  	p6 =	sne.s32 s15, $0x0;
	s19 =	sshra.s32 s16, $0x1F;
	p5 =	slt.s32 s16, $0x1  }
0x15e: {  	s24 =	sshrl.u32 s19, $0x18;
	p0 =	por !p5, !p6  }
0x15f: {  	s15 =	sadd.s32 s24, s16;
	p0 =	por !p0, !p0;
	s16 =	simm.s32 $0x1  }
0x160: {  	s15 =	sshra.s32 s15, $0x8;
	s16 =	simm.s32 @!p0 $0x0  }
0x161: {  	s16 =	ssub.s32 s15, s16  }
0x162: {  	p0 =	slt.s32 s16, $0x1  }
.Ltmp9:
0x163: {  	_ = 	snop;
	(pc) =	sbr.rel @p0 .LBB2_21-.Ltmp9, $1  }
0x164: {  	_ =	sdelay $0x3  }
0x165: {  	p1 =	sne.s32 s16, $0x1  }
.Ltmp10:
0x166: {  	_ = 	snop;
	(pc) =	sbr.rel @!p1 .LBB2_20-.Ltmp10, $4  }
0x167: {  	s14 =	sshll.u32 s14, $0xA;
	s12 =	sadd.s32 $0xF0, s12  }
0x168: {  	s16 =	sadd.s32 $0xFFFFFFFF, s16;
	p0 =	por $0x0, $0x0;
	s14 =	sshra.s32 s14, $0x2  }
0x169: {  	s24 =	sadd.s32 $0xFFFFFF10, s12;
	s20 =	sadd.s32 $0xFFFFFF20, s12;
	s15 =	sadd.s32 $0x6170, s14  }
0x16a: {  	v4 =	vor.u32 s24, v0;
	v3 =	vor.u32 s20, v0;
	s20 =	sadd.s32 $0xFFFFFF30, s12;
	s19 =	sadd.s32 $0xFFFFFF10, s15;
	s14 =	sadd.s32 $0x100, s15  }
0x16b: {  	_ =	sdelay $0x2  }
0x16c: {  	v5 =	vor.u32 s20, v0;
	s21 =	sadd.s32 $0xFFFFFF40, s12  }
0x16d: {  	[spmem:s6] =	stream.indirect_vreg.scatter.add.f32 [tilespmem:s19], [sflag:$0x1], $0x1, v4, vm0, $0xb8;
	v63 =	vld [tilespmem:$0x0]  }
0x16e: {  	s24 =	sadd.s32 $0xFFFFFF20, s15;
	v4 =	vor.u32 s21, v0;
	s21 =	sadd.s32 $0xFFFFFF50, s12  }
0x16f: {  	[spmem:s6] =	stream.indirect_vreg.scatter.add.f32 [tilespmem:s24], [sflag:$0x1], $0x1, v3, vm0, $0xb8;
	v63 =	vld [tilespmem:$0x0]  }
0x170: {  	s24 =	sadd.s32 $0xFFFFFF30, s15;
	v3 =	vor.u32 s21, v0;
	s21 =	sadd.s32 $0xFFFFFF60, s12  }
0x171: {  	[spmem:s6] =	stream.indirect_vreg.scatter.add.f32 [tilespmem:s24], [sflag:$0x1], $0x1, v5, vm0, $0xb8;
	v63 =	vld [tilespmem:$0x0]  }
0x172: {  	s24 =	sadd.s32 $0xFFFFFF40, s15;
	v5 =	vor.u32 s21, v0;
	s21 =	sadd.s32 $0xFFFFFF70, s12  }
0x173: {  	[spmem:s6] =	stream.indirect_vreg.scatter.add.f32 [tilespmem:s24], [sflag:$0x1], $0x1, v4, vm0, $0xb8;
	v63 =	vld [tilespmem:$0x0]  }
0x174: {  	s24 =	sadd.s32 $0xFFFFFF50, s15;
	v4 =	vor.u32 s21, v0;
	s21 =	sadd.s32 $0xFFFFFF80, s12  }
0x175: {  	[spmem:s6] =	stream.indirect_vreg.scatter.add.f32 [tilespmem:s24], [sflag:$0x1], $0x1, v3, vm0, $0xb8;
	v63 =	vld [tilespmem:$0x0]  }
0x176: {  	s24 =	sadd.s32 $0xFFFFFF60, s15;
	v3 =	vor.u32 s21, v0;
	s21 =	sadd.s32 $0xFFFFFF90, s12  }
0x177: {  	[spmem:s6] =	stream.indirect_vreg.scatter.add.f32 [tilespmem:s24], [sflag:$0x1], $0x1, v5, vm0, $0xb8;
	v63 =	vld [tilespmem:$0x0]  }
0x178: {  	s24 =	sadd.s32 $0xFFFFFF70, s15;
	v5 =	vor.u32 s21, v0;
	s21 =	sadd.s32 $0xFFFFFFA0, s12  }
0x179: {  	[spmem:s6] =	stream.indirect_vreg.scatter.add.f32 [tilespmem:s24], [sflag:$0x1], $0x1, v4, vm0, $0xb8;
	v63 =	vld [tilespmem:$0x0]  }
0x17a: {  	s24 =	sadd.s32 $0xFFFFFF80, s15;
	v4 =	vor.u32 s21, v0;
	s21 =	sadd.s32 $0xFFFFFFB0, s12  }
0x17b: {  	[spmem:s6] =	stream.indirect_vreg.scatter.add.f32 [tilespmem:s24], [sflag:$0x1], $0x1, v3, vm0, $0xb8;
	v63 =	vld [tilespmem:$0x0]  }
0x17c: {  	s24 =	sadd.s32 $0xFFFFFF90, s15;
	v3 =	vor.u32 s21, v0;
	s21 =	sadd.s32 $0xFFFFFFC0, s12  }
0x17d: {  	[spmem:s6] =	stream.indirect_vreg.scatter.add.f32 [tilespmem:s24], [sflag:$0x1], $0x1, v5, vm0, $0xb8;
	v63 =	vld [tilespmem:$0x0]  }
0x17e: {  	s24 =	sadd.s32 $0xFFFFFFA0, s15;
	v5 =	vor.u32 s21, v0;
	s21 =	sadd.s32 $0xFFFFFFD0, s12  }
0x17f: {  	[spmem:s6] =	stream.indirect_vreg.scatter.add.f32 [tilespmem:s24], [sflag:$0x1], $0x1, v4, vm0, $0xb8;
	v63 =	vld [tilespmem:$0x0]  }
0x180: {  	s24 =	sadd.s32 $0xFFFFFFB0, s15;
	v4 =	vor.u32 s21, v0;
	s21 =	sadd.s32 $0xFFFFFFE0, s12  }
0x181: {  	[spmem:s6] =	stream.indirect_vreg.scatter.add.f32 [tilespmem:s24], [sflag:$0x1], $0x1, v3, vm0, $0xb8;
	v63 =	vld [tilespmem:$0x0]  }
0x182: {  	s24 =	sadd.s32 $0xFFFFFFC0, s15;
	v3 =	vor.u32 s21, v0;
	s21 =	sadd.s32 $0xFFFFFFF0, s12  }
0x183: {  	[spmem:s6] =	stream.indirect_vreg.scatter.add.f32 [tilespmem:s24], [sflag:$0x1], $0x1, v5, vm0, $0xb8;
	v63 =	vld [tilespmem:$0x0]  }
0x184: {  	s24 =	sadd.s32 $0xFFFFFFD0, s15;
	v5 =	vor.u32 s21, v0  }
0x185: {  	[spmem:s6] =	stream.indirect_vreg.scatter.add.f32 [tilespmem:s24], [sflag:$0x1], $0x1, v4, vm0, $0xb8;
	v63 =	vld [tilespmem:$0x0]  }
0x186: {  	s20 =	sadd.s32 $0xFFFFFFE0, s15;
	v4 =	vor.u32 s12, v0  }
0x187: {  	[spmem:s6] =	stream.indirect_vreg.scatter.add.f32 [tilespmem:s20], [sflag:$0x1], $0x1, v3, vm0, $0xb8;
	v63 =	vld [tilespmem:$0x0]  }
0x188: {  	s21 =	sadd.s32 $0xFFFFFFF0, s15  }
0x189: {  	[spmem:s6] =	stream.indirect_vreg.scatter.add.f32 [tilespmem:s21], [sflag:$0x1], $0x1, v5, vm0, $0xb8;
	v63 =	vld [tilespmem:$0x0]  }
0x18a: {  	_ = 	snop  }
0x18b: {  	[spmem:s6] =	stream.indirect_vreg.scatter.add.f32 [tilespmem:s15], [sflag:$0x1], $0x1, v4, vm0, $0xb8;
	v63 =	vld [tilespmem:$0x0]  }
0x18c: {  	_ =	swait.ge [sflag:s30], $0x10  }
0x18d: {  	[sflag:s30] =	ssyncset.done $0x0  }
0x18e: {  	[sflag:s30] =	ssyncadd.s32 $0xFFFFFFF0  }
0x18f: {  	_ =	swait.ge [sflag:s30], $0x10  }
0x190: {  	[sflag:s30] =	ssyncset.done $0x0  }
0x191: {  	[sflag:s30] =	ssyncadd.s32 $0xFFFFFFF0  }
0x192: {  	_ =	swait.ge [sflag:s30], $0x10  }
0x193: {  	[sflag:s30] =	ssyncset.done $0x0  }
0x194: {  	[sflag:s30] =	ssyncadd.s32 $0xFFFFFFF0  }
0x195: {  	_ =	swait.ge [sflag:s30], $0x10  }
0x196: {  	[sflag:s30] =	ssyncset.done $0x0  }
0x197: {  	[sflag:s30] =	ssyncadd.s32 $0xFFFFFFF0  }
0x198: {  	_ =	swait.ge [sflag:s30], $0x10  }
0x199: {  	[sflag:s30] =	ssyncset.done $0x0  }
0x19a: {  	[sflag:s30] =	ssyncadd.s32 $0xFFFFFFF0  }
0x19b: {  	_ =	swait.ge [sflag:s30], $0x10  }
0x19c: {  	[sflag:s30] =	ssyncset.done $0x0  }
0x19d: {  	[sflag:s30] =	ssyncadd.s32 $0xFFFFFFF0  }
0x19e: {  	_ =	swait.ge [sflag:s30], $0x10  }
0x19f: {  	[sflag:s30] =	ssyncset.done $0x0  }
0x1a0: {  	[sflag:s30] =	ssyncadd.s32 $0xFFFFFFF0  }
0x1a1: {  	_ =	swait.ge [sflag:s30], $0x10  }
0x1a2: {  	[sflag:s30] =	ssyncset.done $0x0  }
0x1a3: {  	[sflag:s30] =	ssyncadd.s32 $0xFFFFFFF0  }
0x1a4: {  	_ =	swait.ge [sflag:s30], $0x10  }
0x1a5: {  	[sflag:s30] =	ssyncset.done $0x0  }
0x1a6: {  	[sflag:s30] =	ssyncadd.s32 $0xFFFFFFF0  }
0x1a7: {  	_ =	swait.ge [sflag:s30], $0x10  }
0x1a8: {  	[sflag:s30] =	ssyncset.done $0x0  }
0x1a9: {  	[sflag:s30] =	ssyncadd.s32 $0xFFFFFFF0  }
0x1aa: {  	_ =	swait.ge [sflag:s30], $0x10  }
0x1ab: {  	[sflag:s30] =	ssyncset.done $0x0  }
0x1ac: {  	[sflag:s30] =	ssyncadd.s32 $0xFFFFFFF0  }
0x1ad: {  	_ =	swait.ge [sflag:s30], $0x10  }
0x1ae: {  	[sflag:s30] =	ssyncset.done $0x0  }
0x1af: {  	[sflag:s30] =	ssyncadd.s32 $0xFFFFFFF0  }
0x1b0: {  	_ =	swait.ge [sflag:s30], $0x10  }
0x1b1: {  	[sflag:s30] =	ssyncset.done $0x0  }
0x1b2: {  	[sflag:s30] =	ssyncadd.s32 $0xFFFFFFF0  }
0x1b3: {  	_ =	swait.ge [sflag:s30], $0x10  }
0x1b4: {  	[sflag:s30] =	ssyncset.done $0x0  }
0x1b5: {  	p1 =	sne.s32 s16, $0x1;
	s12 =	sadd.s32 $0x100, s12;
	[sflag:s30] =	ssyncadd.s32 $0xFFFFFFF0  }
.Ltmp11:
0x1b6: {  	s24 =	sadd.s32 $0xFFFFFF10, s12;
	_ =	swait.ge [sflag:s30], $0x10;
	(pc) =	sbr.rel @!p1 .LBB2_17-.Ltmp11, $4  }
0x1b7: {  	v4 =	vor.u32 s24, v0;
	[sflag:s30] =	ssyncset.done $0x0  }
0x1b8: {  	s19 =	sadd.s32 $0xFFFFFF10, s14;
	s21 =	sadd.s32 $0xFFFFFF20, s12;
	[sflag:s30] =	ssyncadd.s32 $0xFFFFFFF0  }
0x1b9: {  	p0 =	por $0x1, $0x1;
	s20 =	sadd.s32 $0xFFFFFF30, s12;
	v3 =	vor.u32 s21, v0;
	_ =	swait.ge [sflag:s30], $0x10  }
0x1ba: {  	s15 =	sadd.s32 $0xFFFFFFFF, s16;
	s16 =	sadd.s32 $0x100, s14;
	[sflag:s30] =	ssyncset.done $0x0  }
.LBB2_18:
0x1bb: {  	s21 =	sadd.s32 $0xFFFFFF10, s16;
	v5 =	vor.u32 s20, v0;
	s20 =	sadd.s32 $0xFFFFFF40, s12;
	[sflag:s30] =	ssyncadd.s32 $0xFFFFFFF0  }
0x1bc: {  	[spmem:s6] =	stream.indirect_vreg.scatter.add.f32 [tilespmem:s19], [sflag:$0x1], $0x1, v4, vm0, $0xb8;
	v63 =	vld [tilespmem:$0x0]  }
0x1bd: {  	p1 =	sne.s32 s15, $0x1;
	s19 =	sadd.s32 $0xFFFFFF20, s14;
	v4 =	vor.u32 s20, v0;
	s20 =	sadd.s32 $0xFFFFFF50, s12  }
0x1be: {  	[spmem:s6] =	stream.indirect_vreg.scatter.add.f32 [tilespmem:s19], [sflag:$0x1], $0x1, v3, vm0, $0xb8;
	v63 =	vld [tilespmem:$0x0]  }
0x1bf: {  	s15 =	sadd.s32 $0xFFFFFFFF, s15;
	s19 =	sadd.s32 $0xFFFFFF30, s14;
	v3 =	vor.u32 s20, v0;
	s20 =	sadd.s32 $0xFFFFFF60, s12  }
0x1c0: {  	[spmem:s6] =	stream.indirect_vreg.scatter.add.f32 [tilespmem:s19], [sflag:$0x1], $0x1, v5, vm0, $0xb8;
	v63 =	vld [tilespmem:$0x0]  }
0x1c1: {  	s24 =	sadd.s32 $0xFFFFFF40, s14;
	v5 =	vor.u32 s20, v0;
	s20 =	sadd.s32 $0xFFFFFF70, s12;
	s19 =	smov.u32 s21  }
0x1c2: {  	[spmem:s6] =	stream.indirect_vreg.scatter.add.f32 [tilespmem:s24], [sflag:$0x1], $0x1, v4, vm0, $0xb8;
	v63 =	vld [tilespmem:$0x0]  }
0x1c3: {  	s21 =	sadd.s32 $0xFFFFFF50, s14;
	v4 =	vor.u32 s20, v0;
	s20 =	sadd.s32 $0xFFFFFF80, s12  }
0x1c4: {  	[spmem:s6] =	stream.indirect_vreg.scatter.add.f32 [tilespmem:s21], [sflag:$0x1], $0x1, v3, vm0, $0xb8;
	v63 =	vld [tilespmem:$0x0]  }
0x1c5: {  	s21 =	sadd.s32 $0xFFFFFF60, s14;
	v3 =	vor.u32 s20, v0;
	s20 =	sadd.s32 $0xFFFFFF90, s12  }
0x1c6: {  	[spmem:s6] =	stream.indirect_vreg.scatter.add.f32 [tilespmem:s21], [sflag:$0x1], $0x1, v5, vm0, $0xb8;
	v63 =	vld [tilespmem:$0x0]  }
0x1c7: {  	s21 =	sadd.s32 $0xFFFFFF70, s14;
	v5 =	vor.u32 s20, v0;
	s20 =	sadd.s32 $0xFFFFFFA0, s12  }
0x1c8: {  	[spmem:s6] =	stream.indirect_vreg.scatter.add.f32 [tilespmem:s21], [sflag:$0x1], $0x1, v4, vm0, $0xb8;
	v63 =	vld [tilespmem:$0x0]  }
0x1c9: {  	s21 =	sadd.s32 $0xFFFFFF80, s14;
	v4 =	vor.u32 s20, v0;
	s20 =	sadd.s32 $0xFFFFFFB0, s12  }
0x1ca: {  	[spmem:s6] =	stream.indirect_vreg.scatter.add.f32 [tilespmem:s21], [sflag:$0x1], $0x1, v3, vm0, $0xb8;
	v63 =	vld [tilespmem:$0x0]  }
0x1cb: {  	s21 =	sadd.s32 $0xFFFFFF90, s14;
	v3 =	vor.u32 s20, v0;
	s20 =	sadd.s32 $0xFFFFFFC0, s12  }
0x1cc: {  	[spmem:s6] =	stream.indirect_vreg.scatter.add.f32 [tilespmem:s21], [sflag:$0x1], $0x1, v5, vm0, $0xb8;
	v63 =	vld [tilespmem:$0x0]  }
0x1cd: {  	s21 =	sadd.s32 $0xFFFFFFA0, s14;
	v5 =	vor.u32 s20, v0;
	s20 =	sadd.s32 $0xFFFFFFD0, s12  }
0x1ce: {  	[spmem:s6] =	stream.indirect_vreg.scatter.add.f32 [tilespmem:s21], [sflag:$0x1], $0x1, v4, vm0, $0xb8;
	v63 =	vld [tilespmem:$0x0]  }
0x1cf: {  	s21 =	sadd.s32 $0xFFFFFFB0, s14;
	v4 =	vor.u32 s20, v0;
	s20 =	sadd.s32 $0xFFFFFFE0, s12  }
0x1d0: {  	[spmem:s6] =	stream.indirect_vreg.scatter.add.f32 [tilespmem:s21], [sflag:$0x1], $0x1, v3, vm0, $0xb8;
	v63 =	vld [tilespmem:$0x0]  }
0x1d1: {  	s21 =	sadd.s32 $0xFFFFFFC0, s14;
	v3 =	vor.u32 s20, v0;
	s20 =	sadd.s32 $0xFFFFFFF0, s12  }
0x1d2: {  	[spmem:s6] =	stream.indirect_vreg.scatter.add.f32 [tilespmem:s21], [sflag:$0x1], $0x1, v5, vm0, $0xb8;
	v63 =	vld [tilespmem:$0x0]  }
0x1d3: {  	s21 =	sadd.s32 $0xFFFFFFD0, s14;
	v5 =	vor.u32 s20, v0  }
0x1d4: {  	[spmem:s6] =	stream.indirect_vreg.scatter.add.f32 [tilespmem:s21], [sflag:$0x1], $0x1, v4, vm0, $0xb8;
	v63 =	vld [tilespmem:$0x0]  }
0x1d5: {  	s20 =	sadd.s32 $0xFFFFFFE0, s14;
	v4 =	vor.u32 s12, v0  }
0x1d6: {  	[spmem:s6] =	stream.indirect_vreg.scatter.add.f32 [tilespmem:s20], [sflag:$0x1], $0x1, v3, vm0, $0xb8;
	v63 =	vld [tilespmem:$0x0]  }
0x1d7: {  	s20 =	sadd.s32 $0xFFFFFFF0, s14  }
0x1d8: {  	[spmem:s6] =	stream.indirect_vreg.scatter.add.f32 [tilespmem:s20], [sflag:$0x1], $0x1, v5, vm0, $0xb8;
	v63 =	vld [tilespmem:$0x0]  }
0x1d9: {  	_ = 	snop  }
0x1da: {  	[spmem:s6] =	stream.indirect_vreg.scatter.add.f32 [tilespmem:s14], [sflag:$0x1], $0x1, v4, vm0, $0xb8;
	v63 =	vld [tilespmem:$0x0]  }
0x1db: {  	s14 =	smov.u32 s16;
	_ =	swait.ge [sflag:s30], $0x10  }
0x1dc: {  	[sflag:s30] =	ssyncset.done $0x0  }
0x1dd: {  	[sflag:s30] =	ssyncadd.s32 $0xFFFFFFF0  }
0x1de: {  	_ =	swait.ge [sflag:s30], $0x10  }
0x1df: {  	[sflag:s30] =	ssyncset.done $0x0  }
0x1e0: {  	[sflag:s30] =	ssyncadd.s32 $0xFFFFFFF0  }
0x1e1: {  	_ =	swait.ge [sflag:s30], $0x10  }
0x1e2: {  	[sflag:s30] =	ssyncset.done $0x0  }
0x1e3: {  	[sflag:s30] =	ssyncadd.s32 $0xFFFFFFF0  }
0x1e4: {  	_ =	swait.ge [sflag:s30], $0x10  }
0x1e5: {  	[sflag:s30] =	ssyncset.done $0x0  }
0x1e6: {  	[sflag:s30] =	ssyncadd.s32 $0xFFFFFFF0  }
0x1e7: {  	_ =	swait.ge [sflag:s30], $0x10  }
0x1e8: {  	[sflag:s30] =	ssyncset.done $0x0  }
0x1e9: {  	[sflag:s30] =	ssyncadd.s32 $0xFFFFFFF0  }
0x1ea: {  	_ =	swait.ge [sflag:s30], $0x10  }
0x1eb: {  	[sflag:s30] =	ssyncset.done $0x0  }
0x1ec: {  	[sflag:s30] =	ssyncadd.s32 $0xFFFFFFF0  }
0x1ed: {  	_ =	swait.ge [sflag:s30], $0x10  }
0x1ee: {  	[sflag:s30] =	ssyncset.done $0x0  }
0x1ef: {  	[sflag:s30] =	ssyncadd.s32 $0xFFFFFFF0  }
0x1f0: {  	_ =	swait.ge [sflag:s30], $0x10  }
0x1f1: {  	[sflag:s30] =	ssyncset.done $0x0  }
0x1f2: {  	[sflag:s30] =	ssyncadd.s32 $0xFFFFFFF0  }
0x1f3: {  	_ =	swait.ge [sflag:s30], $0x10  }
0x1f4: {  	[sflag:s30] =	ssyncset.done $0x0  }
0x1f5: {  	[sflag:s30] =	ssyncadd.s32 $0xFFFFFFF0  }
0x1f6: {  	_ =	swait.ge [sflag:s30], $0x10  }
0x1f7: {  	[sflag:s30] =	ssyncset.done $0x0  }
0x1f8: {  	[sflag:s30] =	ssyncadd.s32 $0xFFFFFFF0  }
0x1f9: {  	_ =	swait.ge [sflag:s30], $0x10  }
0x1fa: {  	[sflag:s30] =	ssyncset.done $0x0  }
0x1fb: {  	[sflag:s30] =	ssyncadd.s32 $0xFFFFFFF0  }
0x1fc: {  	_ =	swait.ge [sflag:s30], $0x10  }
0x1fd: {  	[sflag:s30] =	ssyncset.done $0x0  }
0x1fe: {  	[sflag:s30] =	ssyncadd.s32 $0xFFFFFFF0  }
0x1ff: {  	_ =	swait.ge [sflag:s30], $0x10  }
0x200: {  	[sflag:s30] =	ssyncset.done $0x0  }
0x201: {  	[sflag:s30] =	ssyncadd.s32 $0xFFFFFFF0  }
0x202: {  	_ =	swait.ge [sflag:s30], $0x10  }
0x203: {  	[sflag:s30] =	ssyncset.done $0x0  }
0x204: {  	s12 =	sadd.s32 $0x100, s12;
	[sflag:s30] =	ssyncadd.s32 $0xFFFFFFF0  }
.Ltmp12:
0x205: {  	s20 =	sadd.s32 $0xFFFFFF10, s12;
	_ =	swait.ge [sflag:s30], $0x10;
	(pc) =	sbr.rel @p1 .LBB2_18-.Ltmp12, $4  }
0x206: {  	v4 =	vor.u32 s20, v0;
	[sflag:s30] =	ssyncset.done $0x0  }
0x207: {  	s20 =	sadd.s32 $0xFFFFFF20, s12;
	[sflag:s30] =	ssyncadd.s32 $0xFFFFFFF0  }
0x208: {  	v3 =	vor.u32 s20, v0;
	_ =	swait.ge [sflag:s30], $0x10  }
0x209: {  	s16 =	sadd.s32 $0x100, s16;
	s20 =	sadd.s32 $0xFFFFFF30, s12;
	[sflag:s30] =	ssyncset.done $0x0  }
.Ltmp13:
0x20a: {  	(pc) =	sbr.rel .LBB2_20-.Ltmp13, $2  }
0x20b: {  	_ =	sdelay $0x2  }
0x20c: {  	s15 =	smov.u32 s14  }
.LBB2_22:
0x20d: {  	_ =	sfence.sel $0x180000  }
0x20e: {  	[bflag:$0x0] =	sbarrier.arrive $0xFFFF  }
0x20f: {  	_ =	strace $0x90000047  }
0x210: {  	s0 =	stileid.u32;
	[bflag:$0x2] =	sbarrier.arrive $0xFFFF  }
0x211: {  	p0 =	sne.s32 s0, $0x0;
	s0 =	rddreg [dreg:$0x6]  }
0x212: {  	s0 =	sadd.s32 @!p0 $0x100000, s0  }
0x213: {  	[sflag:s0] =	ssyncadd.tile.s32 @!p0 $0x1;
	_ =	shalt  }
.Lfunc_end2:
_tile_overlayer_lowered:
.L_overlay_start_2:
0x214: {  	(tag) =	ssettag $0x2  }
0x215: {  	s0 =	rddreg [dreg:$0x0];
	s2 =	stileid.u32  }
0x216: {  	s1 =	rddreg [dreg:$0x1];
	p0 =	sne.s32 s2, $0x0  }
0x217: {  	s3 =	rddreg [dreg:$0x2];
	[bflag:$0x3] =	sbarrier.arrive $0xFFFF;
	s2 =	simm.s32 @!p0 $0x1C05  }
0x218: {  	[timem:s3], [sflag:s2] =	dma.local @!p0 [hbm:s0], s1  }
0x219: {  	s0 =	simm.s32 @!p0 $0x5  }
0x21a: {  	_ =	swait.ge @!p0 [sflag:s0], s1  }
0x21b: {  	s1 =	ssub.s32 @!p0 $0x0, s1;
	[sflag:s0] =	ssyncset.done @!p0 $0x0  }
0x21c: {  	[sflag:s0] =	ssyncadd.s32 @!p0 s1  }
0x21d: {  	[bflag:$0x3] =	sbarrier.arrive $0xFFFF  }
0x21e: {  	_ =	shalt  }

</sc_bundles>
